<compile_context>
chip_gen: v7x
topology: tpu7x:2x2x1
jax: 0.10.2.dev20260603
libtpu: 0.0.44.dev20260713+nightly
codegen_flags: <defaults>
</compile_context>

<pallas_src>
import functools

import jax
import jax.numpy as jnp
from jax import lax
from jax.experimental import pallas as pl
from jax.experimental.pallas import tpu as pltpu
from jax.experimental.pallas import tpu_sc as plsc

NC = 2
NS = 16
NW = NC * NS
CHUNK = 40
NBUF = 5


def _sc_mesh():
    return plsc.VectorSubcoreMesh(core_axis_name="c", subcore_axis_name="s")


def _hist(col2d, npad):
    _, _, per_w = col2d.shape
    rp = npad // NS

    @functools.partial(
        pl.kernel,
        out_type=jax.ShapeDtypeStruct((NC * npad,), jnp.float32),
        mesh=_sc_mesh(),
        compiler_params=pltpu.CompilerParams(needs_layout_passes=False),
        scratch_types=[
            pltpu.VMEM((1, per_w), jnp.int32),
            pltpu.VMEM((npad,), jnp.float32),
            pltpu.VMEM((rp,), jnp.float32),
            pltpu.VMEM((rp,), jnp.float32),
            pltpu.VMEM_SHARED((NS * npad,), jnp.float32),
            pltpu.SemaphoreType.DMA,
            pltpu.SemaphoreType.DMA,
        ],
    )
    def hist_kernel(col_hbm, deg_hbm, idx_v, cnt_v, tmp_a, tmp_b, stage_sh,
                    sem_a, sem_b):
        c = lax.axis_index("c")
        s = lax.axis_index("s")
        wid = s * NC + c
        pltpu.sync_copy(col_hbm.at[wid], idx_v)

        @pl.loop(0, npad // 16)
        def _(i):
            cnt_v[pl.ds(i * 16, 16)] = jnp.zeros((16,), jnp.float32)

        @pl.loop(0, per_w // 16)
        def _(k):
            idx = idx_v[0, pl.ds(k * 16, 16)]
            plsc.addupdate_scatter(cnt_v, [idx],
                                   jnp.full((16,), 1.0, jnp.float32))

        pltpu.sync_copy(cnt_v, stage_sh.at[pl.ds(s * npad, npad)])
        plsc.subcore_barrier()
        tmps = (tmp_a, tmp_b)
        sems = (sem_a, sem_b)

        def load(t, b):
            pltpu.async_copy(stage_sh.at[pl.ds(t * npad + s * rp, rp)],
                             tmps[b], sems[b])

        load(0, 0)
        load(1, 1)
        for t in range(NS):
            b = t % 2
            pltpu.make_async_copy(stage_sh.at[pl.ds(s * rp, rp)],
                                  tmps[b], sems[b]).wait()
            if t == 0:
                @pl.loop(0, rp // 16)
                def _(i):
                    cnt_v[pl.ds(i * 16, 16)] = tmps[0][pl.ds(i * 16, 16)]
            else:
                tb = tmps[b]

                @pl.loop(0, rp // 16)
                def _(i):
                    cnt_v[pl.ds(i * 16, 16)] = (cnt_v[pl.ds(i * 16, 16)]
                                                + tb[pl.ds(i * 16, 16)])
            if t + 2 < NS:
                load(t + 2, b)

        pltpu.sync_copy(cnt_v.at[pl.ds(0, rp)],
                        deg_hbm.at[pl.ds(c * npad + s * rp, rp)])

    return hist_kernel(col2d)


def _agg(xws, row1d, col1d, npad):
    cdim = xws.shape[1]
    chunk = CHUNK
    per_w = row1d.shape[0] // NW
    chunks_per_w = per_w // chunk
    rp = npad // NS
    assert rp % chunk == 0

    assert chunks_per_w % NBUF == 0
    nsteps = chunks_per_w // NBUF

    @functools.partial(
        pl.kernel,
        out_type=jax.ShapeDtypeStruct((NC, npad, cdim), jnp.float32),
        mesh=_sc_mesh(),
        scratch_types=[
            pltpu.VMEM((per_w,), jnp.int32),
            pltpu.VMEM((per_w,), jnp.int32),
        ] + [pltpu.VMEM((chunk, cdim), jnp.float32)] * NBUF
          + [pltpu.VMEM_SHARED((npad, cdim), jnp.float32)]
          + [pltpu.SemaphoreType.DMA] * (2 * NBUF),
    )
    def agg_kernel(xws_hbm, row_hbm, col_hbm, out_hbm,
                   row_v, col_v, *rest):
        bufs = rest[:NBUF]
        acc_sh = rest[NBUF]
        gsem = rest[NBUF + 1:2 * NBUF + 1]
        ssem = rest[2 * NBUF + 1:]
        c = lax.axis_index("c")
        s = lax.axis_index("s")
        wid = s * NC + c
        @pl.loop(0, chunk)
        def _(i):
            for k in range(cdim // 16):
                bufs[0][i, pl.ds(k * 16, 16)] = jnp.zeros((16,), jnp.float32)

        for k in range(rp // chunk):
            pltpu.async_copy(bufs[0],
                             acc_sh.at[pl.ds(s * rp + k * chunk, chunk)],
                             ssem[0])
        pltpu.sync_copy(row_hbm.at[pl.ds(wid * per_w, per_w)], row_v)
        pltpu.sync_copy(col_hbm.at[pl.ds(wid * per_w, per_w)], col_v)
        for k in range(rp // chunk):
            pltpu.make_async_copy(xws_hbm.at[col_v.at[pl.ds(0, chunk)]],
                                  bufs[0], ssem[0]).wait()

        def gather(j, b):
            pltpu.async_copy(xws_hbm.at[col_v.at[pl.ds(j * chunk, chunk)]],
                             bufs[b], gsem[b])

        def scatter(j, b):
            pltpu.async_copy(bufs[b],
                             acc_sh.at[row_v.at[pl.ds(j * chunk, chunk)]],
                             ssem[b], add=True)

        def wait(b, sem):
            pltpu.make_async_copy(xws_hbm.at[col_v.at[pl.ds(0, chunk)]],
                                  bufs[b], sem).wait()

        for b in range(NBUF):
            gather(b, b)
        plsc.subcore_barrier()

        @pl.loop(0, nsteps)
        def _(p):
            j0 = p * NBUF
            for b in range(NBUF):
                wait(b, gsem[b])
                scatter(j0 + b, b)
            for b in range(NBUF):
                wait(b, ssem[b])
                jn = j0 + NBUF + b

                @pl.when(jn < chunks_per_w)
                def _():
                    gather(jn, b)

        plsc.subcore_barrier()
        pltpu.sync_copy(acc_sh.at[pl.ds(s * rp, rp)],
                        out_hbm.at[c, pl.ds(s * rp, rp)])

    return agg_kernel(xws, row1d, col1d)


BLK = 1024


def _dis_rows(d_blk):
    deg = d_blk[0] + d_blk[1]
    return jnp.where(deg > 0.0, lax.rsqrt(deg), 0.0)


def _matmul_scale(x, w, d3):
    n, cin = x.shape
    cout = w.shape[0]
    npad = d3.shape[1] * 128

    def body(x_ref, w_ref, d_ref, o_ref):
        xw = lax.dot_general(
            x_ref[...], w_ref[...], (((1,), (1,)), ((), ())),
            preferred_element_type=jnp.float32)
        dis = _dis_rows(d_ref[...])
        xw3 = xw.reshape(BLK // 128, 128, cout)
        o_ref[...] = (xw3 * dis[:, :, None]).reshape(BLK, cout)

    return pl.pallas_call(
        body,
        grid=(npad // BLK,),
        in_specs=[pl.BlockSpec((BLK, cin), lambda i: (i, 0)),
                  pl.BlockSpec((cout, cin), lambda i: (0, 0)),
                  pl.BlockSpec((NC, BLK // 128, 128), lambda i: (0, i, 0))],
        out_specs=pl.BlockSpec((BLK, cout), lambda i: (i, 0)),
        out_shape=jax.ShapeDtypeStruct((n, cout), jnp.float32),
    )(x, w, d3)


def _finalize(parts, d3, bias2d, n):
    cdim = parts.shape[2]
    npad = parts.shape[1]

    def body(p_ref, d_ref, b_ref, o_ref):
        p = p_ref[0] + p_ref[1]
        dis = _dis_rows(d_ref[...])
        p3 = p.reshape(BLK // 128, 128, cdim)
        o_ref[...] = (p3 * dis[:, :, None]).reshape(BLK, cdim) + b_ref[...]

    return pl.pallas_call(
        body,
        grid=(npad // BLK,),
        in_specs=[pl.BlockSpec((NC, BLK, cdim), lambda i: (0, i, 0)),
                  pl.BlockSpec((NC, BLK // 128, 128), lambda i: (0, i, 0)),
                  pl.BlockSpec((1, cdim), lambda i: (0, 0))],
        out_specs=pl.BlockSpec((BLK, cdim), lambda i: (i, 0)),
        out_shape=jax.ShapeDtypeStruct((n, cdim), jnp.float32),
    )(parts, d3, bias2d)


def kernel(x, edge_index, W, bias):
    n, cdim = x.shape
    e = edge_index.shape[1]
    npad = ((n + 16 * NS - 1) // (16 * NS)) * (16 * NS)
    row1d = edge_index[0]
    col1d = edge_index[1]

    deg_flat = _hist(edge_index[1].reshape(NW, 1, e // NW), npad)
    d3 = deg_flat.reshape(NC, npad // 128, 128)
    xws = _matmul_scale(x, W, d3)
    parts = _agg(xws, row1d, col1d, npad)
    return _finalize(parts, d3, bias.reshape(1, cdim), n)

# --- scband reference (transcript-rebuilt; emitter-appended) ---
"""Pipeline reference for scband-qgnn-59751585022674 (READ-ONLY COPY).

The authoritative reference and input builder live on the scoring server;
editing this copy changes nothing except your own understanding.
"""

import jax, jax.numpy as jnp
import numpy as np


def setup_inputs(seed: int = 0) -> dict:
    key = jax.random.key(seed)
    k1, k2, k3, k4 = jax.random.split(key, 4)
    N, E, C_in, C_out = 10000, 320000, 128, 128
    x = jax.random.normal(k1, (N, C_in), dtype=jnp.float32)
    edge_index = jax.random.randint(k2, (2, E), 0, N, dtype=jnp.int32)
    # Learned parameters of qMessagePassing: lin (no bias) weight [out, in], and bias [out]
    W = jax.random.normal(k3, (C_out, C_in), dtype=jnp.float32) * (1.0 / np.sqrt(C_in))
    bias = jnp.zeros((C_out,), dtype=jnp.float32)
    return {"x": x, "edge_index": edge_index, "W": W, "bias": bias}


def reference(x, edge_index, W, bias):
    # x = self.lin(x)  (Linear without bias)
    xw = x @ W.T
    N = xw.shape[0]
    row, col = edge_index[0], edge_index[1]
    # deg = degree(col, N)
    deg = jnp.zeros((N,), dtype=xw.dtype).at[col].add(1.0)
    # deg_inv_sqrt with inf -> 0
    deg_inv_sqrt = jnp.where(deg > 0, deg ** -0.5, 0.0)
    norm = deg_inv_sqrt[row] * deg_inv_sqrt[col]
    # flow='target_to_source': message uses x_j = x[col], aggregate (add) at row
    msgs = norm[:, None] * jnp.take(xw, col, axis=0)
    out = jnp.zeros((N, xw.shape[1]), dtype=xw.dtype).at[row].add(msgs)
    return out + bias

if __name__ == "__main__":
    import jax
    _d = setup_inputs()
    print(jax.jit(kernel)(*tuple(_d.values())))

</pallas_src>

<mosaic_0001>
#map = affine_map<(d0, d1) -> (0, 0, 0)>
#map1 = affine_map<(d0, d1) -> (0)>
module attributes {stable_mosaic.version = 14 : i64} {
  func.func @hist_kernel(%arg0: i32, %arg1: i32, %arg2: memref<32x1x10000xi32, #tpu.memory_space<hbm>>, %arg3: memref<20480xf32, #tpu.memory_space<hbm>>, %arg4: memref<1x10000xi32, #tpu.memory_space<vmem>>, %arg5: memref<10240xf32, #tpu.memory_space<vmem>>, %arg6: memref<640xf32, #tpu.memory_space<vmem>>, %arg7: memref<640xf32, #tpu.memory_space<vmem>>, %arg8: memref<163840xf32, #tpu.memory_space<vmem_shared>>, %arg9: memref<!tpu.dma_semaphore, #tpu.memory_space<semaphore_mem>>, %arg10: memref<!tpu.dma_semaphore, #tpu.memory_space<semaphore_mem>>) attributes {dimension_semantics = [#tpu.dimension_semantics<core_parallel>, #tpu.dimension_semantics<subcore_parallel>], iteration_bounds = array<i64: 2, 16>, scalar_prefetch = 0 : i64, scratch_operands = 7 : i64, tpu.core_type = #tpu.core_type<sc_vector_subcore>, window_params = [{transform_indices = #map}, {transform_indices = #map1}]} {
    %mul3A = arith.constant 2 : i32
    %mul3A_0 = arith.muli %arg1, %mul3A : i32
    %add3A = arith.addi %mul3A_0, %arg0 : i32
    "tpu.region"() ({
      %run_scoped3A = tpu.sem_alloc : memref<!tpu.dma_semaphore, #tpu.memory_space<semaphore_mem>>
      %dma_start3A_255 = arith.constant 0 : i32
      %dma_start3A_256 = arith.constant 0 : i32
      %dma_start3A_257 = tpu.memref_slice %arg2[%add3A, %dma_start3A_255, %dma_start3A_256] : memref<32x1x10000xi32, #tpu.memory_space<hbm>> -> memref<1x1x10000xi32, #tpu.memory_space<hbm>>
      %dma_start3A_258 = tpu.memref_squeeze %dma_start3A_257 : memref<1x1x10000xi32, #tpu.memory_space<hbm>> -> memref<1x10000xi32, #tpu.memory_space<hbm>>
      %dma_start3A_259 = arith.constant 0 : i32
      %dma_start3A_260 = arith.constant 0 : i32
      %dma_start3A_261 = tpu.memref_slice %arg2[%add3A, %dma_start3A_259, %dma_start3A_260] : memref<32x1x10000xi32, #tpu.memory_space<hbm>> -> memref<1x1x10000xi32, #tpu.memory_space<hbm>>
      %dma_start3A_262 = tpu.memref_squeeze %dma_start3A_261 : memref<1x1x10000xi32, #tpu.memory_space<hbm>> -> memref<1x10000xi32, #tpu.memory_space<hbm>>
      tpu.enqueue_dma source(%dma_start3A_262 : memref<1x10000xi32, #tpu.memory_space<hbm>>) target(%arg4 : memref<1x10000xi32, #tpu.memory_space<vmem>>) target_semaphore(%run_scoped3A : memref<!tpu.dma_semaphore, #tpu.memory_space<semaphore_mem>>)
      %dma_wait3A_263 = arith.constant 0 : i32
      %dma_wait3A_264 = arith.constant 0 : i32
      %dma_wait3A_265 = tpu.memref_slice %arg2[%add3A, %dma_wait3A_263, %dma_wait3A_264] : memref<32x1x10000xi32, #tpu.memory_space<hbm>> -> memref<1x1x10000xi32, #tpu.memory_space<hbm>>
      %dma_wait3A_266 = tpu.memref_squeeze %dma_wait3A_265 : memref<1x1x10000xi32, #tpu.memory_space<hbm>> -> memref<1x10000xi32, #tpu.memory_space<hbm>>
      %dma_wait3A_267 = arith.constant 0 : i32
      %dma_wait3A_268 = arith.constant 0 : i32
      %dma_wait3A_269 = tpu.memref_slice %arg2[%add3A, %dma_wait3A_267, %dma_wait3A_268] : memref<32x1x10000xi32, #tpu.memory_space<hbm>> -> memref<1x1x10000xi32, #tpu.memory_space<hbm>>
      %dma_wait3A_270 = tpu.memref_squeeze %dma_wait3A_269 : memref<1x1x10000xi32, #tpu.memory_space<hbm>> -> memref<1x10000xi32, #tpu.memory_space<hbm>>
      tpu.wait_dma2 semaphore(%run_scoped3A : memref<!tpu.dma_semaphore, #tpu.memory_space<semaphore_mem>>) src(%dma_wait3A_270 : memref<1x10000xi32, #tpu.memory_space<hbm>>) dst(%arg4 : memref<1x10000xi32, #tpu.memory_space<vmem>>)
      tpu.yield
    }) : () -> ()
    %scan3A = arith.constant 0 : i32
    %scan3A_1 = arith.constant 640 : i32
    %scan3A_2 = arith.addi %scan3A, %scan3A_1 : i32
    %scan3A_3 = arith.constant 1 : i32
    scf.for %scan3A_255 = %scan3A to %scan3A_2 step %scan3A_3  : i32 {
      %mul3A_256 = arith.constant 1 : i32
      %mul3A_257 = arith.muli %scan3A_255, %mul3A_256 : i32
      %add3A_258 = arith.constant 0 : i32
      %add3A_259 = arith.addi %add3A_258, %mul3A_257 : i32
      %broadcast_in_dim3A = arith.constant 0.000000e+00 : f32
      %broadcast_in_dim3A_260 = vector.broadcast %broadcast_in_dim3A : f32 to vector<16xf32>
      %mul3A_261 = arith.constant 16 : i32
      %mul3A_262 = arith.muli %add3A_259, %mul3A_261 : i32
      %swap3A = arith.index_cast %mul3A_262 : i32 to index
      %swap3A_263 = tpu.vector_load %arg5[%swap3A] {strides = array<i32>} : memref<10240xf32, #tpu.memory_space<vmem>>, vector<16xf32>,
      tpu.vector_store %arg5[%swap3A], %broadcast_in_dim3A_260 {strides = array<i32>} : memref<10240xf32, #tpu.memory_space<vmem>>, vector<16xf32>,
    }
    %scan3A_4 = arith.constant 640 : i32
    %scan3A_5 = arith.constant 0 : i32
    %scan3A_6 = arith.constant 625 : i32
    %scan3A_7 = arith.addi %scan3A_5, %scan3A_6 : i32
    %scan3A_8 = arith.constant 1 : i32
    scf.for %scan3A_255 = %scan3A_5 to %scan3A_7 step %scan3A_8  : i32 {
      %mul3A_256 = arith.constant 1 : i32
      %mul3A_257 = arith.muli %scan3A_255, %mul3A_256 : i32
      %add3A_258 = arith.constant 0 : i32
      %add3A_259 = arith.addi %add3A_258, %mul3A_257 : i32
      %mul3A_260 = arith.constant 16 : i32
      %mul3A_261 = arith.muli %add3A_259, %mul3A_260 : i32
      %get3A = arith.constant 0 : i32
      %get3A_262 = arith.index_cast %get3A : i32 to index
      %get3A_263 = arith.index_cast %mul3A_261 : i32 to index
      %get3A_264 = tpu.vector_load %arg4[%get3A_262, %get3A_263] {strides = array<i32>} : memref<1x10000xi32, #tpu.memory_space<vmem>>, vector<16xi32>,
      %broadcast_in_dim3A = arith.constant 1.000000e+00 : f32
      %broadcast_in_dim3A_265 = vector.broadcast %broadcast_in_dim3A : f32 to vector<16xf32>
      tpu.vector_store_idx %arg5[%get3A_264], %broadcast_in_dim3A_265 {add = true} : memref<10240xf32, #tpu.memory_space<vmem>>[vector<16xi32>], vector<16xf32>,
    }
    %scan3A_9 = arith.constant 625 : i32
    %mul3A_10 = arith.constant 10240 : i32
    %mul3A_11 = arith.muli %arg1, %mul3A_10 : i32
    "tpu.region"() ({
      %run_scoped3A = tpu.sem_alloc : memref<!tpu.dma_semaphore, #tpu.memory_space<semaphore_mem>>
      %dma_start3A_255 = tpu.memref_slice %arg8[%mul3A_11] : memref<163840xf32, #tpu.memory_space<vmem_shared>> -> memref<10240xf32, #tpu.memory_space<vmem_shared>>
      %dma_start3A_256 = tpu.memref_slice %arg8[%mul3A_11] : memref<163840xf32, #tpu.memory_space<vmem_shared>> -> memref<10240xf32, #tpu.memory_space<vmem_shared>>
      tpu.enqueue_dma source(%arg5 : memref<10240xf32, #tpu.memory_space<vmem>>) target(%dma_start3A_256 : memref<10240xf32, #tpu.memory_space<vmem_shared>>) target_semaphore(%run_scoped3A : memref<!tpu.dma_semaphore, #tpu.memory_space<semaphore_mem>>)
      %dma_wait3A_257 = tpu.memref_slice %arg8[%mul3A_11] : memref<163840xf32, #tpu.memory_space<vmem_shared>> -> memref<10240xf32, #tpu.memory_space<vmem_shared>>
      %dma_wait3A_258 = tpu.memref_slice %arg8[%mul3A_11] : memref<163840xf32, #tpu.memory_space<vmem_shared>> -> memref<10240xf32, #tpu.memory_space<vmem_shared>>
      tpu.wait_dma2 semaphore(%run_scoped3A : memref<!tpu.dma_semaphore, #tpu.memory_space<semaphore_mem>>) src(%arg5 : memref<10240xf32, #tpu.memory_space<vmem>>) dst(%dma_wait3A_258 : memref<10240xf32, #tpu.memory_space<vmem_shared>>)
      tpu.yield
    }) : () -> ()
    %barrier3A = arith.constant 0 : index
    tpu.barrier barrier_id(%barrier3A)
    %mul3A_12 = arith.constant 640 : i32
    %mul3A_13 = arith.muli %arg1, %mul3A_12 : i32
    %add3A_14 = arith.constant 0 : i32
    %add3A_15 = arith.addi %add3A_14, %mul3A_13 : i32
    %dma_start3A = tpu.memref_slice %arg8[%add3A_15] : memref<163840xf32, #tpu.memory_space<vmem_shared>> -> memref<640xf32, #tpu.memory_space<vmem_shared>>
    %dma_start3A_16 = tpu.memref_slice %arg8[%add3A_15] : memref<163840xf32, #tpu.memory_space<vmem_shared>> -> memref<640xf32, #tpu.memory_space<vmem_shared>>
    tpu.enqueue_dma source(%dma_start3A_16 : memref<640xf32, #tpu.memory_space<vmem_shared>>) target(%arg6 : memref<640xf32, #tpu.memory_space<vmem>>) target_semaphore(%arg9 : memref<!tpu.dma_semaphore, #tpu.memory_space<semaphore_mem>>)
    %mul3A_17 = arith.constant 640 : i32
    %mul3A_18 = arith.muli %arg1, %mul3A_17 : i32
    %add3A_19 = arith.constant 10240 : i32
    %add3A_20 = arith.addi %add3A_19, %mul3A_18 : i32
    %dma_start3A_21 = tpu.memref_slice %arg8[%add3A_20] : memref<163840xf32, #tpu.memory_space<vmem_shared>> -> memref<640xf32, #tpu.memory_space<vmem_shared>>
    %dma_start3A_22 = tpu.memref_slice %arg8[%add3A_20] : memref<163840xf32, #tpu.memory_space<vmem_shared>> -> memref<640xf32, #tpu.memory_space<vmem_shared>>
    tpu.enqueue_dma source(%dma_start3A_22 : memref<640xf32, #tpu.memory_space<vmem_shared>>) target(%arg7 : memref<640xf32, #tpu.memory_space<vmem>>) target_semaphore(%arg10 : memref<!tpu.dma_semaphore, #tpu.memory_space<semaphore_mem>>)
    %mul3A_23 = arith.constant 640 : i32
    %mul3A_24 = arith.muli %arg1, %mul3A_23 : i32
    %dma_wait3A = tpu.memref_slice %arg8[%mul3A_24] : memref<163840xf32, #tpu.memory_space<vmem_shared>> -> memref<640xf32, #tpu.memory_space<vmem_shared>>
    %dma_wait3A_25 = tpu.memref_slice %arg8[%mul3A_24] : memref<163840xf32, #tpu.memory_space<vmem_shared>> -> memref<640xf32, #tpu.memory_space<vmem_shared>>
    tpu.wait_dma2 semaphore(%arg9 : memref<!tpu.dma_semaphore, #tpu.memory_space<semaphore_mem>>) src(%dma_wait3A_25 : memref<640xf32, #tpu.memory_space<vmem_shared>>) dst(%arg6 : memref<640xf32, #tpu.memory_space<vmem>>)
    %scan3A_26 = arith.constant 0 : i32
    %scan3A_27 = arith.constant 40 : i32
    %scan3A_28 = arith.addi %scan3A_26, %scan3A_27 : i32
    %scan3A_29 = arith.constant 1 : i32
    scf.for %scan3A_255 = %scan3A_26 to %scan3A_28 step %scan3A_29  : i32 {
      %mul3A_256 = arith.constant 1 : i32
      %mul3A_257 = arith.muli %scan3A_255, %mul3A_256 : i32
      %add3A_258 = arith.constant 0 : i32
      %add3A_259 = arith.addi %add3A_258, %mul3A_257 : i32
      %mul3A_260 = arith.constant 16 : i32
      %mul3A_261 = arith.muli %add3A_259, %mul3A_260 : i32
      %get3A = arith.index_cast %mul3A_261 : i32 to index
      %get3A_262 = tpu.vector_load %arg6[%get3A] {strides = array<i32>} : memref<640xf32, #tpu.memory_space<vmem>>, vector<16xf32>,
      %mul3A_263 = arith.constant 16 : i32
      %mul3A_264 = arith.muli %add3A_259, %mul3A_263 : i32
      %swap3A = arith.index_cast %mul3A_264 : i32 to index
      %swap3A_265 = tpu.vector_load %arg5[%swap3A] {strides = array<i32>} : memref<10240xf32, #tpu.memory_space<vmem>>, vector<16xf32>,
      tpu.vector_store %arg5[%swap3A], %get3A_262 {strides = array<i32>} : memref<10240xf32, #tpu.memory_space<vmem>>, vector<16xf32>,
    }
    %scan3A_30 = arith.constant 40 : i32
    %mul3A_31 = arith.constant 640 : i32
    %mul3A_32 = arith.muli %arg1, %mul3A_31 : i32
    %add3A_33 = arith.constant 20480 : i32
    %add3A_34 = arith.addi %add3A_33, %mul3A_32 : i32
    %dma_start3A_35 = tpu.memref_slice %arg8[%add3A_34] : memref<163840xf32, #tpu.memory_space<vmem_shared>> -> memref<640xf32, #tpu.memory_space<vmem_shared>>
    %dma_start3A_36 = tpu.memref_slice %arg8[%add3A_34] : memref<163840xf32, #tpu.memory_space<vmem_shared>> -> memref<640xf32, #tpu.memory_space<vmem_shared>>
    tpu.enqueue_dma source(%dma_start3A_36 : memref<640xf32, #tpu.memory_space<vmem_shared>>) target(%arg6 : memref<640xf32, #tpu.memory_space<vmem>>) target_semaphore(%arg9 : memref<!tpu.dma_semaphore, #tpu.memory_space<semaphore_mem>>)
    %mul3A_37 = arith.constant 640 : i32
    %mul3A_38 = arith.muli %arg1, %mul3A_37 : i32
    %dma_wait3A_39 = tpu.memref_slice %arg8[%mul3A_38] : memref<163840xf32, #tpu.memory_space<vmem_shared>> -> memref<640xf32, #tpu.memory_space<vmem_shared>>
    %dma_wait3A_40 = tpu.memref_slice %arg8[%mul3A_38] : memref<163840xf32, #tpu.memory_space<vmem_shared>> -> memref<640xf32, #tpu.memory_space<vmem_shared>>
    tpu.wait_dma2 semaphore(%arg10 : memref<!tpu.dma_semaphore, #tpu.memory_space<semaphore_mem>>) src(%dma_wait3A_40 : memref<640xf32, #tpu.memory_space<vmem_shared>>) dst(%arg7 : memref<640xf32, #tpu.memory_space<vmem>>)
    %scan3A_41 = arith.constant 0 : i32
    %scan3A_42 = arith.constant 40 : i32
    %scan3A_43 = arith.addi %scan3A_41, %scan3A_42 : i32
    %scan3A_44 = arith.constant 1 : i32
    scf.for %scan3A_255 = %scan3A_41 to %scan3A_43 step %scan3A_44  : i32 {
      %mul3A_256 = arith.constant 1 : i32
      %mul3A_257 = arith.muli %scan3A_255, %mul3A_256 : i32
      %add3A_258 = arith.constant 0 : i32
      %add3A_259 = arith.addi %add3A_258, %mul3A_257 : i32
      %mul3A_260 = arith.constant 16 : i32
      %mul3A_261 = arith.muli %add3A_259, %mul3A_260 : i32
      %get3A = arith.index_cast %mul3A_261 : i32 to index
      %get3A_262 = tpu.vector_load %arg5[%get3A] {strides = array<i32>} : memref<10240xf32, #tpu.memory_space<vmem>>, vector<16xf32>,
      %mul3A_263 = arith.constant 16 : i32
      %mul3A_264 = arith.muli %add3A_259, %mul3A_263 : i32
      %get3A_265 = arith.index_cast %mul3A_264 : i32 to index
      %get3A_266 = tpu.vector_load %arg7[%get3A_265] {strides = array<i32>} : memref<640xf32, #tpu.memory_space<vmem>>, vector<16xf32>,
      %add3A_267 = arith.addf %get3A_262, %get3A_266 : vector<16xf32>
      %mul3A_268 = arith.constant 16 : i32
      %mul3A_269 = arith.muli %add3A_259, %mul3A_268 : i32
      %swap3A = arith.index_cast %mul3A_269 : i32 to index
      %swap3A_270 = tpu.vector_load %arg5[%swap3A] {strides = array<i32>} : memref<10240xf32, #tpu.memory_space<vmem>>, vector<16xf32>,
      tpu.vector_store %arg5[%swap3A], %add3A_267 {strides = array<i32>} : memref<10240xf32, #tpu.memory_space<vmem>>, vector<16xf32>,
    }
    %scan3A_45 = arith.constant 40 : i32
    %mul3A_46 = arith.constant 640 : i32
    %mul3A_47 = arith.muli %arg1, %mul3A_46 : i32
    %add3A_48 = arith.constant 30720 : i32
    %add3A_49 = arith.addi %add3A_48, %mul3A_47 : i32
    %dma_start3A_50 = tpu.memref_slice %arg8[%add3A_49] : memref<163840xf32, #tpu.memory_space<vmem_shared>> -> memref<640xf32, #tpu.memory_space<vmem_shared>>
    %dma_start3A_51 = tpu.memref_slice %arg8[%add3A_49] : memref<163840xf32, #tpu.memory_space<vmem_shared>> -> memref<640xf32, #tpu.memory_space<vmem_shared>>
    tpu.enqueue_dma source(%dma_start3A_51 : memref<640xf32, #tpu.memory_space<vmem_shared>>) target(%arg7 : memref<640xf32, #tpu.memory_space<vmem>>) target_semaphore(%arg10 : memref<!tpu.dma_semaphore, #tpu.memory_space<semaphore_mem>>)
    %mul3A_52 = arith.constant 640 : i32
    %mul3A_53 = arith.muli %arg1, %mul3A_52 : i32
    %dma_wait3A_54 = tpu.memref_slice %arg8[%mul3A_53] : memref<163840xf32, #tpu.memory_space<vmem_shared>> -> memref<640xf32, #tpu.memory_space<vmem_shared>>
    %dma_wait3A_55 = tpu.memref_slice %arg8[%mul3A_53] : memref<163840xf32, #tpu.memory_space<vmem_shared>> -> memref<640xf32, #tpu.memory_space<vmem_shared>>
    tpu.wait_dma2 semaphore(%arg9 : memref<!tpu.dma_semaphore, #tpu.memory_space<semaphore_mem>>) src(%dma_wait3A_55 : memref<640xf32, #tpu.memory_space<vmem_shared>>) dst(%arg6 : memref<640xf32, #tpu.memory_space<vmem>>)
    %scan3A_56 = arith.constant 0 : i32
    %scan3A_57 = arith.constant 40 : i32
    %scan3A_58 = arith.addi %scan3A_56, %scan3A_57 : i32
    %scan3A_59 = arith.constant 1 : i32
    scf.for %scan3A_255 = %scan3A_56 to %scan3A_58 step %scan3A_59  : i32 {
      %mul3A_256 = arith.constant 1 : i32
      %mul3A_257 = arith.muli %scan3A_255, %mul3A_256 : i32
      %add3A_258 = arith.constant 0 : i32
      %add3A_259 = arith.addi %add3A_258, %mul3A_257 : i32
      %mul3A_260 = arith.constant 16 : i32
      %mul3A_261 = arith.muli %add3A_259, %mul3A_260 : i32
      %get3A = arith.index_cast %mul3A_261 : i32 to index
      %get3A_262 = tpu.vector_load %arg5[%get3A] {strides = array<i32>} : memref<10240xf32, #tpu.memory_space<vmem>>, vector<16xf32>,
      %mul3A_263 = arith.constant 16 : i32
      %mul3A_264 = arith.muli %add3A_259, %mul3A_263 : i32
      %get3A_265 = arith.index_cast %mul3A_264 : i32 to index
      %get3A_266 = tpu.vector_load %arg6[%get3A_265] {strides = array<i32>} : memref<640xf32, #tpu.memory_space<vmem>>, vector<16xf32>,
      %add3A_267 = arith.addf %get3A_262, %get3A_266 : vector<16xf32>
      %mul3A_268 = arith.constant 16 : i32
      %mul3A_269 = arith.muli %add3A_259, %mul3A_268 : i32
      %swap3A = arith.index_cast %mul3A_269 : i32 to index
      %swap3A_270 = tpu.vector_load %arg5[%swap3A] {strides = array<i32>} : memref<10240xf32, #tpu.memory_space<vmem>>, vector<16xf32>,
      tpu.vector_store %arg5[%swap3A], %add3A_267 {strides = array<i32>} : memref<10240xf32, #tpu.memory_space<vmem>>, vector<16xf32>,
    }
    %scan3A_60 = arith.constant 40 : i32
    %mul3A_61 = arith.constant 640 : i32
    %mul3A_62 = arith.muli %arg1, %mul3A_61 : i32
    %add3A_63 = arith.constant 40960 : i32
    %add3A_64 = arith.addi %add3A_63, %mul3A_62 : i32
    %dma_start3A_65 = tpu.memref_slice %arg8[%add3A_64] : memref<163840xf32, #tpu.memory_space<vmem_shared>> -> memref<640xf32, #tpu.memory_space<vmem_shared>>
    %dma_start3A_66 = tpu.memref_slice %arg8[%add3A_64] : memref<163840xf32, #tpu.memory_space<vmem_shared>> -> memref<640xf32, #tpu.memory_space<vmem_shared>>
    tpu.enqueue_dma source(%dma_start3A_66 : memref<640xf32, #tpu.memory_space<vmem_shared>>) target(%arg6 : memref<640xf32, #tpu.memory_space<vmem>>) target_semaphore(%arg9 : memref<!tpu.dma_semaphore, #tpu.memory_space<semaphore_mem>>)
    %mul3A_67 = arith.constant 640 : i32
    %mul3A_68 = arith.muli %arg1, %mul3A_67 : i32
    %dma_wait3A_69 = tpu.memref_slice %arg8[%mul3A_68] : memref<163840xf32, #tpu.memory_space<vmem_shared>> -> memref<640xf32, #tpu.memory_space<vmem_shared>>
    %dma_wait3A_70 = tpu.memref_slice %arg8[%mul3A_68] : memref<163840xf32, #tpu.memory_space<vmem_shared>> -> memref<640xf32, #tpu.memory_space<vmem_shared>>
    tpu.wait_dma2 semaphore(%arg10 : memref<!tpu.dma_semaphore, #tpu.memory_space<semaphore_mem>>) src(%dma_wait3A_70 : memref<640xf32, #tpu.memory_space<vmem_shared>>) dst(%arg7 : memref<640xf32, #tpu.memory_space<vmem>>)
    %scan3A_71 = arith.constant 0 : i32
    %scan3A_72 = arith.constant 40 : i32
    %scan3A_73 = arith.addi %scan3A_71, %scan3A_72 : i32
    %scan3A_74 = arith.constant 1 : i32
    scf.for %scan3A_255 = %scan3A_71 to %scan3A_73 step %scan3A_74  : i32 {
      %mul3A_256 = arith.constant 1 : i32
      %mul3A_257 = arith.muli %scan3A_255, %mul3A_256 : i32
      %add3A_258 = arith.constant 0 : i32
      %add3A_259 = arith.addi %add3A_258, %mul3A_257 : i32
      %mul3A_260 = arith.constant 16 : i32
      %mul3A_261 = arith.muli %add3A_259, %mul3A_260 : i32
      %get3A = arith.index_cast %mul3A_261 : i32 to index
      %get3A_262 = tpu.vector_load %arg5[%get3A] {strides = array<i32>} : memref<10240xf32, #tpu.memory_space<vmem>>, vector<16xf32>,
      %mul3A_263 = arith.constant 16 : i32
      %mul3A_264 = arith.muli %add3A_259, %mul3A_263 : i32
      %get3A_265 = arith.index_cast %mul3A_264 : i32 to index
      %get3A_266 = tpu.vector_load %arg7[%get3A_265] {strides = array<i32>} : memref<640xf32, #tpu.memory_space<vmem>>, vector<16xf32>,
      %add3A_267 = arith.addf %get3A_262, %get3A_266 : vector<16xf32>
      %mul3A_268 = arith.constant 16 : i32
      %mul3A_269 = arith.muli %add3A_259, %mul3A_268 : i32
      %swap3A = arith.index_cast %mul3A_269 : i32 to index
      %swap3A_270 = tpu.vector_load %arg5[%swap3A] {strides = array<i32>} : memref<10240xf32, #tpu.memory_space<vmem>>, vector<16xf32>,
      tpu.vector_store %arg5[%swap3A], %add3A_267 {strides = array<i32>} : memref<10240xf32, #tpu.memory_space<vmem>>, vector<16xf32>,
    }
    %scan3A_75 = arith.constant 40 : i32
    %mul3A_76 = arith.constant 640 : i32
    %mul3A_77 = arith.muli %arg1, %mul3A_76 : i32
    %add3A_78 = arith.constant 51200 : i32
    %add3A_79 = arith.addi %add3A_78, %mul3A_77 : i32
    %dma_start3A_80 = tpu.memref_slice %arg8[%add3A_79] : memref<163840xf32, #tpu.memory_space<vmem_shared>> -> memref<640xf32, #tpu.memory_space<vmem_shared>>
    %dma_start3A_81 = tpu.memref_slice %arg8[%add3A_79] : memref<163840xf32, #tpu.memory_space<vmem_shared>> -> memref<640xf32, #tpu.memory_space<vmem_shared>>
    tpu.enqueue_dma source(%dma_start3A_81 : memref<640xf32, #tpu.memory_space<vmem_shared>>) target(%arg7 : memref<640xf32, #tpu.memory_space<vmem>>) target_semaphore(%arg10 : memref<!tpu.dma_semaphore, #tpu.memory_space<semaphore_mem>>)
    %mul3A_82 = arith.constant 640 : i32
    %mul3A_83 = arith.muli %arg1, %mul3A_82 : i32
    %dma_wait3A_84 = tpu.memref_slice %arg8[%mul3A_83] : memref<163840xf32, #tpu.memory_space<vmem_shared>> -> memref<640xf32, #tpu.memory_space<vmem_shared>>
    %dma_wait3A_85 = tpu.memref_slice %arg8[%mul3A_83] : memref<163840xf32, #tpu.memory_space<vmem_shared>> -> memref<640xf32, #tpu.memory_space<vmem_shared>>
    tpu.wait_dma2 semaphore(%arg9 : memref<!tpu.dma_semaphore, #tpu.memory_space<semaphore_mem>>) src(%dma_wait3A_85 : memref<640xf32, #tpu.memory_space<vmem_shared>>) dst(%arg6 : memref<640xf32, #tpu.memory_space<vmem>>)
    %scan3A_86 = arith.constant 0 : i32
    %scan3A_87 = arith.constant 40 : i32
    %scan3A_88 = arith.addi %scan3A_86, %scan3A_87 : i32
    %scan3A_89 = arith.constant 1 : i32
    scf.for %scan3A_255 = %scan3A_86 to %scan3A_88 step %scan3A_89  : i32 {
      %mul3A_256 = arith.constant 1 : i32
      %mul3A_257 = arith.muli %scan3A_255, %mul3A_256 : i32
      %add3A_258 = arith.constant 0 : i32
      %add3A_259 = arith.addi %add3A_258, %mul3A_257 : i32
      %mul3A_260 = arith.constant 16 : i32
      %mul3A_261 = arith.muli %add3A_259, %mul3A_260 : i32
      %get3A = arith.index_cast %mul3A_261 : i32 to index
      %get3A_262 = tpu.vector_load %arg5[%get3A] {strides = array<i32>} : memref<10240xf32, #tpu.memory_space<vmem>>, vector<16xf32>,
      %mul3A_263 = arith.constant 16 : i32
      %mul3A_264 = arith.muli %add3A_259, %mul3A_263 : i32
      %get3A_265 = arith.index_cast %mul3A_264 : i32 to index
      %get3A_266 = tpu.vector_load %arg6[%get3A_265] {strides = array<i32>} : memref<640xf32, #tpu.memory_space<vmem>>, vector<16xf32>,
      %add3A_267 = arith.addf %get3A_262, %get3A_266 : vector<16xf32>
      %mul3A_268 = arith.constant 16 : i32
      %mul3A_269 = arith.muli %add3A_259, %mul3A_268 : i32
      %swap3A = arith.index_cast %mul3A_269 : i32 to index
      %swap3A_270 = tpu.vector_load %arg5[%swap3A] {strides = array<i32>} : memref<10240xf32, #tpu.memory_space<vmem>>, vector<16xf32>,
      tpu.vector_store %arg5[%swap3A], %add3A_267 {strides = array<i32>} : memref<10240xf32, #tpu.memory_space<vmem>>, vector<16xf32>,
    }
    %scan3A_90 = arith.constant 40 : i32
    %mul3A_91 = arith.constant 640 : i32
    %mul3A_92 = arith.muli %arg1, %mul3A_91 : i32
    %add3A_93 = arith.constant 61440 : i32
    %add3A_94 = arith.addi %add3A_93, %mul3A_92 : i32
    %dma_start3A_95 = tpu.memref_slice %arg8[%add3A_94] : memref<163840xf32, #tpu.memory_space<vmem_shared>> -> memref<640xf32, #tpu.memory_space<vmem_shared>>
    %dma_start3A_96 = tpu.memref_slice %arg8[%add3A_94] : memref<163840xf32, #tpu.memory_space<vmem_shared>> -> memref<640xf32, #tpu.memory_space<vmem_shared>>
    tpu.enqueue_dma source(%dma_start3A_96 : memref<640xf32, #tpu.memory_space<vmem_shared>>) target(%arg6 : memref<640xf32, #tpu.memory_space<vmem>>) target_semaphore(%arg9 : memref<!tpu.dma_semaphore, #tpu.memory_space<semaphore_mem>>)
    %mul3A_97 = arith.constant 640 : i32
    %mul3A_98 = arith.muli %arg1, %mul3A_97 : i32
    %dma_wait3A_99 = tpu.memref_slice %arg8[%mul3A_98] : memref<163840xf32, #tpu.memory_space<vmem_shared>> -> memref<640xf32, #tpu.memory_space<vmem_shared>>
    %dma_wait3A_100 = tpu.memref_slice %arg8[%mul3A_98] : memref<163840xf32, #tpu.memory_space<vmem_shared>> -> memref<640xf32, #tpu.memory_space<vmem_shared>>
    tpu.wait_dma2 semaphore(%arg10 : memref<!tpu.dma_semaphore, #tpu.memory_space<semaphore_mem>>) src(%dma_wait3A_100 : memref<640xf32, #tpu.memory_space<vmem_shared>>) dst(%arg7 : memref<640xf32, #tpu.memory_space<vmem>>)
    %scan3A_101 = arith.constant 0 : i32
    %scan3A_102 = arith.constant 40 : i32
    %scan3A_103 = arith.addi %scan3A_101, %scan3A_102 : i32
    %scan3A_104 = arith.constant 1 : i32
    scf.for %scan3A_255 = %scan3A_101 to %scan3A_103 step %scan3A_104  : i32 {
      %mul3A_256 = arith.constant 1 : i32
      %mul3A_257 = arith.muli %scan3A_255, %mul3A_256 : i32
      %add3A_258 = arith.constant 0 : i32
      %add3A_259 = arith.addi %add3A_258, %mul3A_257 : i32
      %mul3A_260 = arith.constant 16 : i32
      %mul3A_261 = arith.muli %add3A_259, %mul3A_260 : i32
      %get3A = arith.index_cast %mul3A_261 : i32 to index
      %get3A_262 = tpu.vector_load %arg5[%get3A] {strides = array<i32>} : memref<10240xf32, #tpu.memory_space<vmem>>, vector<16xf32>,
      %mul3A_263 = arith.constant 16 : i32
      %mul3A_264 = arith.muli %add3A_259, %mul3A_263 : i32
      %get3A_265 = arith.index_cast %mul3A_264 : i32 to index
      %get3A_266 = tpu.vector_load %arg7[%get3A_265] {strides = array<i32>} : memref<640xf32, #tpu.memory_space<vmem>>, vector<16xf32>,
      %add3A_267 = arith.addf %get3A_262, %get3A_266 : vector<16xf32>
      %mul3A_268 = arith.constant 16 : i32
      %mul3A_269 = arith.muli %add3A_259, %mul3A_268 : i32
      %swap3A = arith.index_cast %mul3A_269 : i32 to index
      %swap3A_270 = tpu.vector_load %arg5[%swap3A] {strides = array<i32>} : memref<10240xf32, #tpu.memory_space<vmem>>, vector<16xf32>,
      tpu.vector_store %arg5[%swap3A], %add3A_267 {strides = array<i32>} : memref<10240xf32, #tpu.memory_space<vmem>>, vector<16xf32>,
    }
    %scan3A_105 = arith.constant 40 : i32
    %mul3A_106 = arith.constant 640 : i32
    %mul3A_107 = arith.muli %arg1, %mul3A_106 : i32
    %add3A_108 = arith.constant 71680 : i32
    %add3A_109 = arith.addi %add3A_108, %mul3A_107 : i32
    %dma_start3A_110 = tpu.memref_slice %arg8[%add3A_109] : memref<163840xf32, #tpu.memory_space<vmem_shared>> -> memref<640xf32, #tpu.memory_space<vmem_shared>>
    %dma_start3A_111 = tpu.memref_slice %arg8[%add3A_109] : memref<163840xf32, #tpu.memory_space<vmem_shared>> -> memref<640xf32, #tpu.memory_space<vmem_shared>>
    tpu.enqueue_dma source(%dma_start3A_111 : memref<640xf32, #tpu.memory_space<vmem_shared>>) target(%arg7 : memref<640xf32, #tpu.memory_space<vmem>>) target_semaphore(%arg10 : memref<!tpu.dma_semaphore, #tpu.memory_space<semaphore_mem>>)
    %mul3A_112 = arith.constant 640 : i32
    %mul3A_113 = arith.muli %arg1, %mul3A_112 : i32
    %dma_wait3A_114 = tpu.memref_slice %arg8[%mul3A_113] : memref<163840xf32, #tpu.memory_space<vmem_shared>> -> memref<640xf32, #tpu.memory_space<vmem_shared>>
    %dma_wait3A_115 = tpu.memref_slice %arg8[%mul3A_113] : memref<163840xf32, #tpu.memory_space<vmem_shared>> -> memref<640xf32, #tpu.memory_space<vmem_shared>>
    tpu.wait_dma2 semaphore(%arg9 : memref<!tpu.dma_semaphore, #tpu.memory_space<semaphore_mem>>) src(%dma_wait3A_115 : memref<640xf32, #tpu.memory_space<vmem_shared>>) dst(%arg6 : memref<640xf32, #tpu.memory_space<vmem>>)
    %scan3A_116 = arith.constant 0 : i32
    %scan3A_117 = arith.constant 40 : i32
    %scan3A_118 = arith.addi %scan3A_116, %scan3A_117 : i32
    %scan3A_119 = arith.constant 1 : i32
    scf.for %scan3A_255 = %scan3A_116 to %scan3A_118 step %scan3A_119  : i32 {
      %mul3A_256 = arith.constant 1 : i32
      %mul3A_257 = arith.muli %scan3A_255, %mul3A_256 : i32
      %add3A_258 = arith.constant 0 : i32
      %add3A_259 = arith.addi %add3A_258, %mul3A_257 : i32
      %mul3A_260 = arith.constant 16 : i32
      %mul3A_261 = arith.muli %add3A_259, %mul3A_260 : i32
      %get3A = arith.index_cast %mul3A_261 : i32 to index
      %get3A_262 = tpu.vector_load %arg5[%get3A] {strides = array<i32>} : memref<10240xf32, #tpu.memory_space<vmem>>, vector<16xf32>,
      %mul3A_263 = arith.constant 16 : i32
      %mul3A_264 = arith.muli %add3A_259, %mul3A_263 : i32
      %get3A_265 = arith.index_cast %mul3A_264 : i32 to index
      %get3A_266 = tpu.vector_load %arg6[%get3A_265] {strides = array<i32>} : memref<640xf32, #tpu.memory_space<vmem>>, vector<16xf32>,
      %add3A_267 = arith.addf %get3A_262, %get3A_266 : vector<16xf32>
      %mul3A_268 = arith.constant 16 : i32
      %mul3A_269 = arith.muli %add3A_259, %mul3A_268 : i32
      %swap3A = arith.index_cast %mul3A_269 : i32 to index
      %swap3A_270 = tpu.vector_load %arg5[%swap3A] {strides = array<i32>} : memref<10240xf32, #tpu.memory_space<vmem>>, vector<16xf32>,
      tpu.vector_store %arg5[%swap3A], %add3A_267 {strides = array<i32>} : memref<10240xf32, #tpu.memory_space<vmem>>, vector<16xf32>,
    }
    %scan3A_120 = arith.constant 40 : i32
    %mul3A_121 = arith.constant 640 : i32
    %mul3A_122 = arith.muli %arg1, %mul3A_121 : i32
    %add3A_123 = arith.constant 81920 : i32
    %add3A_124 = arith.addi %add3A_123, %mul3A_122 : i32
    %dma_start3A_125 = tpu.memref_slice %arg8[%add3A_124] : memref<163840xf32, #tpu.memory_space<vmem_shared>> -> memref<640xf32, #tpu.memory_space<vmem_shared>>
    %dma_start3A_126 = tpu.memref_slice %arg8[%add3A_124] : memref<163840xf32, #tpu.memory_space<vmem_shared>> -> memref<640xf32, #tpu.memory_space<vmem_shared>>
    tpu.enqueue_dma source(%dma_start3A_126 : memref<640xf32, #tpu.memory_space<vmem_shared>>) target(%arg6 : memref<640xf32, #tpu.memory_space<vmem>>) target_semaphore(%arg9 : memref<!tpu.dma_semaphore, #tpu.memory_space<semaphore_mem>>)
    %mul3A_127 = arith.constant 640 : i32
    %mul3A_128 = arith.muli %arg1, %mul3A_127 : i32
    %dma_wait3A_129 = tpu.memref_slice %arg8[%mul3A_128] : memref<163840xf32, #tpu.memory_space<vmem_shared>> -> memref<640xf32, #tpu.memory_space<vmem_shared>>
    %dma_wait3A_130 = tpu.memref_slice %arg8[%mul3A_128] : memref<163840xf32, #tpu.memory_space<vmem_shared>> -> memref<640xf32, #tpu.memory_space<vmem_shared>>
    tpu.wait_dma2 semaphore(%arg10 : memref<!tpu.dma_semaphore, #tpu.memory_space<semaphore_mem>>) src(%dma_wait3A_130 : memref<640xf32, #tpu.memory_space<vmem_shared>>) dst(%arg7 : memref<640xf32, #tpu.memory_space<vmem>>)
    %scan3A_131 = arith.constant 0 : i32
    %scan3A_132 = arith.constant 40 : i32
    %scan3A_133 = arith.addi %scan3A_131, %scan3A_132 : i32
    %scan3A_134 = arith.constant 1 : i32
    scf.for %scan3A_255 = %scan3A_131 to %scan3A_133 step %scan3A_134  : i32 {
      %mul3A_256 = arith.constant 1 : i32
      %mul3A_257 = arith.muli %scan3A_255, %mul3A_256 : i32
      %add3A_258 = arith.constant 0 : i32
      %add3A_259 = arith.addi %add3A_258, %mul3A_257 : i32
      %mul3A_260 = arith.constant 16 : i32
      %mul3A_261 = arith.muli %add3A_259, %mul3A_260 : i32
      %get3A = arith.index_cast %mul3A_261 : i32 to index
      %get3A_262 = tpu.vector_load %arg5[%get3A] {strides = array<i32>} : memref<10240xf32, #tpu.memory_space<vmem>>, vector<16xf32>,
      %mul3A_263 = arith.constant 16 : i32
      %mul3A_264 = arith.muli %add3A_259, %mul3A_263 : i32
      %get3A_265 = arith.index_cast %mul3A_264 : i32 to index
      %get3A_266 = tpu.vector_load %arg7[%get3A_265] {strides = array<i32>} : memref<640xf32, #tpu.memory_space<vmem>>, vector<16xf32>,
      %add3A_267 = arith.addf %get3A_262, %get3A_266 : vector<16xf32>
      %mul3A_268 = arith.constant 16 : i32
      %mul3A_269 = arith.muli %add3A_259, %mul3A_268 : i32
      %swap3A = arith.index_cast %mul3A_269 : i32 to index
      %swap3A_270 = tpu.vector_load %arg5[%swap3A] {strides = array<i32>} : memref<10240xf32, #tpu.memory_space<vmem>>, vector<16xf32>,
      tpu.vector_store %arg5[%swap3A], %add3A_267 {strides = array<i32>} : memref<10240xf32, #tpu.memory_space<vmem>>, vector<16xf32>,
    }
    %scan3A_135 = arith.constant 40 : i32
    %mul3A_136 = arith.constant 640 : i32
    %mul3A_137 = arith.muli %arg1, %mul3A_136 : i32
    %add3A_138 = arith.constant 92160 : i32
    %add3A_139 = arith.addi %add3A_138, %mul3A_137 : i32
    %dma_start3A_140 = tpu.memref_slice %arg8[%add3A_139] : memref<163840xf32, #tpu.memory_space<vmem_shared>> -> memref<640xf32, #tpu.memory_space<vmem_shared>>
    %dma_start3A_141 = tpu.memref_slice %arg8[%add3A_139] : memref<163840xf32, #tpu.memory_space<vmem_shared>> -> memref<640xf32, #tpu.memory_space<vmem_shared>>
    tpu.enqueue_dma source(%dma_start3A_141 : memref<640xf32, #tpu.memory_space<vmem_shared>>) target(%arg7 : memref<640xf32, #tpu.memory_space<vmem>>) target_semaphore(%arg10 : memref<!tpu.dma_semaphore, #tpu.memory_space<semaphore_mem>>)
    %mul3A_142 = arith.constant 640 : i32
    %mul3A_143 = arith.muli %arg1, %mul3A_142 : i32
    %dma_wait3A_144 = tpu.memref_slice %arg8[%mul3A_143] : memref<163840xf32, #tpu.memory_space<vmem_shared>> -> memref<640xf32, #tpu.memory_space<vmem_shared>>
    %dma_wait3A_145 = tpu.memref_slice %arg8[%mul3A_143] : memref<163840xf32, #tpu.memory_space<vmem_shared>> -> memref<640xf32, #tpu.memory_space<vmem_shared>>
    tpu.wait_dma2 semaphore(%arg9 : memref<!tpu.dma_semaphore, #tpu.memory_space<semaphore_mem>>) src(%dma_wait3A_145 : memref<640xf32, #tpu.memory_space<vmem_shared>>) dst(%arg6 : memref<640xf32, #tpu.memory_space<vmem>>)
    %scan3A_146 = arith.constant 0 : i32
    %scan3A_147 = arith.constant 40 : i32
    %scan3A_148 = arith.addi %scan3A_146, %scan3A_147 : i32
    %scan3A_149 = arith.constant 1 : i32
    scf.for %scan3A_255 = %scan3A_146 to %scan3A_148 step %scan3A_149  : i32 {
      %mul3A_256 = arith.constant 1 : i32
      %mul3A_257 = arith.muli %scan3A_255, %mul3A_256 : i32
      %add3A_258 = arith.constant 0 : i32
      %add3A_259 = arith.addi %add3A_258, %mul3A_257 : i32
      %mul3A_260 = arith.constant 16 : i32
      %mul3A_261 = arith.muli %add3A_259, %mul3A_260 : i32
      %get3A = arith.index_cast %mul3A_261 : i32 to index
      %get3A_262 = tpu.vector_load %arg5[%get3A] {strides = array<i32>} : memref<10240xf32, #tpu.memory_space<vmem>>, vector<16xf32>,
      %mul3A_263 = arith.constant 16 : i32
      %mul3A_264 = arith.muli %add3A_259, %mul3A_263 : i32
      %get3A_265 = arith.index_cast %mul3A_264 : i32 to index
      %get3A_266 = tpu.vector_load %arg6[%get3A_265] {strides = array<i32>} : memref<640xf32, #tpu.memory_space<vmem>>, vector<16xf32>,
      %add3A_267 = arith.addf %get3A_262, %get3A_266 : vector<16xf32>
      %mul3A_268 = arith.constant 16 : i32
      %mul3A_269 = arith.muli %add3A_259, %mul3A_268 : i32
      %swap3A = arith.index_cast %mul3A_269 : i32 to index
      %swap3A_270 = tpu.vector_load %arg5[%swap3A] {strides = array<i32>} : memref<10240xf32, #tpu.memory_space<vmem>>, vector<16xf32>,
      tpu.vector_store %arg5[%swap3A], %add3A_267 {strides = array<i32>} : memref<10240xf32, #tpu.memory_space<vmem>>, vector<16xf32>,
    }
    %scan3A_150 = arith.constant 40 : i32
    %mul3A_151 = arith.constant 640 : i32
    %mul3A_152 = arith.muli %arg1, %mul3A_151 : i32
    %add3A_153 = arith.constant 102400 : i32
    %add3A_154 = arith.addi %add3A_153, %mul3A_152 : i32
    %dma_start3A_155 = tpu.memref_slice %arg8[%add3A_154] : memref<163840xf32, #tpu.memory_space<vmem_shared>> -> memref<640xf32, #tpu.memory_space<vmem_shared>>
    %dma_start3A_156 = tpu.memref_slice %arg8[%add3A_154] : memref<163840xf32, #tpu.memory_space<vmem_shared>> -> memref<640xf32, #tpu.memory_space<vmem_shared>>
    tpu.enqueue_dma source(%dma_start3A_156 : memref<640xf32, #tpu.memory_space<vmem_shared>>) target(%arg6 : memref<640xf32, #tpu.memory_space<vmem>>) target_semaphore(%arg9 : memref<!tpu.dma_semaphore, #tpu.memory_space<semaphore_mem>>)
    %mul3A_157 = arith.constant 640 : i32
    %mul3A_158 = arith.muli %arg1, %mul3A_157 : i32
    %dma_wait3A_159 = tpu.memref_slice %arg8[%mul3A_158] : memref<163840xf32, #tpu.memory_space<vmem_shared>> -> memref<640xf32, #tpu.memory_space<vmem_shared>>
    %dma_wait3A_160 = tpu.memref_slice %arg8[%mul3A_158] : memref<163840xf32, #tpu.memory_space<vmem_shared>> -> memref<640xf32, #tpu.memory_space<vmem_shared>>
    tpu.wait_dma2 semaphore(%arg10 : memref<!tpu.dma_semaphore, #tpu.memory_space<semaphore_mem>>) src(%dma_wait3A_160 : memref<640xf32, #tpu.memory_space<vmem_shared>>) dst(%arg7 : memref<640xf32, #tpu.memory_space<vmem>>)
    %scan3A_161 = arith.constant 0 : i32
    %scan3A_162 = arith.constant 40 : i32
    %scan3A_163 = arith.addi %scan3A_161, %scan3A_162 : i32
    %scan3A_164 = arith.constant 1 : i32
    scf.for %scan3A_255 = %scan3A_161 to %scan3A_163 step %scan3A_164  : i32 {
      %mul3A_256 = arith.constant 1 : i32
      %mul3A_257 = arith.muli %scan3A_255, %mul3A_256 : i32
      %add3A_258 = arith.constant 0 : i32
      %add3A_259 = arith.addi %add3A_258, %mul3A_257 : i32
      %mul3A_260 = arith.constant 16 : i32
      %mul3A_261 = arith.muli %add3A_259, %mul3A_260 : i32
      %get3A = arith.index_cast %mul3A_261 : i32 to index
      %get3A_262 = tpu.vector_load %arg5[%get3A] {strides = array<i32>} : memref<10240xf32, #tpu.memory_space<vmem>>, vector<16xf32>,
      %mul3A_263 = arith.constant 16 : i32
      %mul3A_264 = arith.muli %add3A_259, %mul3A_263 : i32
      %get3A_265 = arith.index_cast %mul3A_264 : i32 to index
      %get3A_266 = tpu.vector_load %arg7[%get3A_265] {strides = array<i32>} : memref<640xf32, #tpu.memory_space<vmem>>, vector<16xf32>,
      %add3A_267 = arith.addf %get3A_262, %get3A_266 : vector<16xf32>
      %mul3A_268 = arith.constant 16 : i32
      %mul3A_269 = arith.muli %add3A_259, %mul3A_268 : i32
      %swap3A = arith.index_cast %mul3A_269 : i32 to index
      %swap3A_270 = tpu.vector_load %arg5[%swap3A] {strides = array<i32>} : memref<10240xf32, #tpu.memory_space<vmem>>, vector<16xf32>,
      tpu.vector_store %arg5[%swap3A], %add3A_267 {strides = array<i32>} : memref<10240xf32, #tpu.memory_space<vmem>>, vector<16xf32>,
    }
    %scan3A_165 = arith.constant 40 : i32
    %mul3A_166 = arith.constant 640 : i32
    %mul3A_167 = arith.muli %arg1, %mul3A_166 : i32
    %add3A_168 = arith.constant 112640 : i32
    %add3A_169 = arith.addi %add3A_168, %mul3A_167 : i32
    %dma_start3A_170 = tpu.memref_slice %arg8[%add3A_169] : memref<163840xf32, #tpu.memory_space<vmem_shared>> -> memref<640xf32, #tpu.memory_space<vmem_shared>>
    %dma_start3A_171 = tpu.memref_slice %arg8[%add3A_169] : memref<163840xf32, #tpu.memory_space<vmem_shared>> -> memref<640xf32, #tpu.memory_space<vmem_shared>>
    tpu.enqueue_dma source(%dma_start3A_171 : memref<640xf32, #tpu.memory_space<vmem_shared>>) target(%arg7 : memref<640xf32, #tpu.memory_space<vmem>>) target_semaphore(%arg10 : memref<!tpu.dma_semaphore, #tpu.memory_space<semaphore_mem>>)
    %mul3A_172 = arith.constant 640 : i32
    %mul3A_173 = arith.muli %arg1, %mul3A_172 : i32
    %dma_wait3A_174 = tpu.memref_slice %arg8[%mul3A_173] : memref<163840xf32, #tpu.memory_space<vmem_shared>> -> memref<640xf32, #tpu.memory_space<vmem_shared>>
    %dma_wait3A_175 = tpu.memref_slice %arg8[%mul3A_173] : memref<163840xf32, #tpu.memory_space<vmem_shared>> -> memref<640xf32, #tpu.memory_space<vmem_shared>>
    tpu.wait_dma2 semaphore(%arg9 : memref<!tpu.dma_semaphore, #tpu.memory_space<semaphore_mem>>) src(%dma_wait3A_175 : memref<640xf32, #tpu.memory_space<vmem_shared>>) dst(%arg6 : memref<640xf32, #tpu.memory_space<vmem>>)
    %scan3A_176 = arith.constant 0 : i32
    %scan3A_177 = arith.constant 40 : i32
    %scan3A_178 = arith.addi %scan3A_176, %scan3A_177 : i32
    %scan3A_179 = arith.constant 1 : i32
    scf.for %scan3A_255 = %scan3A_176 to %scan3A_178 step %scan3A_179  : i32 {
      %mul3A_256 = arith.constant 1 : i32
      %mul3A_257 = arith.muli %scan3A_255, %mul3A_256 : i32
      %add3A_258 = arith.constant 0 : i32
      %add3A_259 = arith.addi %add3A_258, %mul3A_257 : i32
      %mul3A_260 = arith.constant 16 : i32
      %mul3A_261 = arith.muli %add3A_259, %mul3A_260 : i32
      %get3A = arith.index_cast %mul3A_261 : i32 to index
      %get3A_262 = tpu.vector_load %arg5[%get3A] {strides = array<i32>} : memref<10240xf32, #tpu.memory_space<vmem>>, vector<16xf32>,
      %mul3A_263 = arith.constant 16 : i32
      %mul3A_264 = arith.muli %add3A_259, %mul3A_263 : i32
      %get3A_265 = arith.index_cast %mul3A_264 : i32 to index
      %get3A_266 = tpu.vector_load %arg6[%get3A_265] {strides = array<i32>} : memref<640xf32, #tpu.memory_space<vmem>>, vector<16xf32>,
      %add3A_267 = arith.addf %get3A_262, %get3A_266 : vector<16xf32>
      %mul3A_268 = arith.constant 16 : i32
      %mul3A_269 = arith.muli %add3A_259, %mul3A_268 : i32
      %swap3A = arith.index_cast %mul3A_269 : i32 to index
      %swap3A_270 = tpu.vector_load %arg5[%swap3A] {strides = array<i32>} : memref<10240xf32, #tpu.memory_space<vmem>>, vector<16xf32>,
      tpu.vector_store %arg5[%swap3A], %add3A_267 {strides = array<i32>} : memref<10240xf32, #tpu.memory_space<vmem>>, vector<16xf32>,
    }
    %scan3A_180 = arith.constant 40 : i32
    %mul3A_181 = arith.constant 640 : i32
    %mul3A_182 = arith.muli %arg1, %mul3A_181 : i32
    %add3A_183 = arith.constant 122880 : i32
    %add3A_184 = arith.addi %add3A_183, %mul3A_182 : i32
    %dma_start3A_185 = tpu.memref_slice %arg8[%add3A_184] : memref<163840xf32, #tpu.memory_space<vmem_shared>> -> memref<640xf32, #tpu.memory_space<vmem_shared>>
    %dma_start3A_186 = tpu.memref_slice %arg8[%add3A_184] : memref<163840xf32, #tpu.memory_space<vmem_shared>> -> memref<640xf32, #tpu.memory_space<vmem_shared>>
    tpu.enqueue_dma source(%dma_start3A_186 : memref<640xf32, #tpu.memory_space<vmem_shared>>) target(%arg6 : memref<640xf32, #tpu.memory_space<vmem>>) target_semaphore(%arg9 : memref<!tpu.dma_semaphore, #tpu.memory_space<semaphore_mem>>)
    %mul3A_187 = arith.constant 640 : i32
    %mul3A_188 = arith.muli %arg1, %mul3A_187 : i32
    %dma_wait3A_189 = tpu.memref_slice %arg8[%mul3A_188] : memref<163840xf32, #tpu.memory_space<vmem_shared>> -> memref<640xf32, #tpu.memory_space<vmem_shared>>
    %dma_wait3A_190 = tpu.memref_slice %arg8[%mul3A_188] : memref<163840xf32, #tpu.memory_space<vmem_shared>> -> memref<640xf32, #tpu.memory_space<vmem_shared>>
    tpu.wait_dma2 semaphore(%arg10 : memref<!tpu.dma_semaphore, #tpu.memory_space<semaphore_mem>>) src(%dma_wait3A_190 : memref<640xf32, #tpu.memory_space<vmem_shared>>) dst(%arg7 : memref<640xf32, #tpu.memory_space<vmem>>)
    %scan3A_191 = arith.constant 0 : i32
    %scan3A_192 = arith.constant 40 : i32
    %scan3A_193 = arith.addi %scan3A_191, %scan3A_192 : i32
    %scan3A_194 = arith.constant 1 : i32
    scf.for %scan3A_255 = %scan3A_191 to %scan3A_193 step %scan3A_194  : i32 {
      %mul3A_256 = arith.constant 1 : i32
      %mul3A_257 = arith.muli %scan3A_255, %mul3A_256 : i32
      %add3A_258 = arith.constant 0 : i32
      %add3A_259 = arith.addi %add3A_258, %mul3A_257 : i32
      %mul3A_260 = arith.constant 16 : i32
      %mul3A_261 = arith.muli %add3A_259, %mul3A_260 : i32
      %get3A = arith.index_cast %mul3A_261 : i32 to index
      %get3A_262 = tpu.vector_load %arg5[%get3A] {strides = array<i32>} : memref<10240xf32, #tpu.memory_space<vmem>>, vector<16xf32>,
      %mul3A_263 = arith.constant 16 : i32
      %mul3A_264 = arith.muli %add3A_259, %mul3A_263 : i32
      %get3A_265 = arith.index_cast %mul3A_264 : i32 to index
      %get3A_266 = tpu.vector_load %arg7[%get3A_265] {strides = array<i32>} : memref<640xf32, #tpu.memory_space<vmem>>, vector<16xf32>,
      %add3A_267 = arith.addf %get3A_262, %get3A_266 : vector<16xf32>
      %mul3A_268 = arith.constant 16 : i32
      %mul3A_269 = arith.muli %add3A_259, %mul3A_268 : i32
      %swap3A = arith.index_cast %mul3A_269 : i32 to index
      %swap3A_270 = tpu.vector_load %arg5[%swap3A] {strides = array<i32>} : memref<10240xf32, #tpu.memory_space<vmem>>, vector<16xf32>,
      tpu.vector_store %arg5[%swap3A], %add3A_267 {strides = array<i32>} : memref<10240xf32, #tpu.memory_space<vmem>>, vector<16xf32>,
    }
    %scan3A_195 = arith.constant 40 : i32
    %mul3A_196 = arith.constant 640 : i32
    %mul3A_197 = arith.muli %arg1, %mul3A_196 : i32
    %add3A_198 = arith.constant 133120 : i32
    %add3A_199 = arith.addi %add3A_198, %mul3A_197 : i32
    %dma_start3A_200 = tpu.memref_slice %arg8[%add3A_199] : memref<163840xf32, #tpu.memory_space<vmem_shared>> -> memref<640xf32, #tpu.memory_space<vmem_shared>>
    %dma_start3A_201 = tpu.memref_slice %arg8[%add3A_199] : memref<163840xf32, #tpu.memory_space<vmem_shared>> -> memref<640xf32, #tpu.memory_space<vmem_shared>>
    tpu.enqueue_dma source(%dma_start3A_201 : memref<640xf32, #tpu.memory_space<vmem_shared>>) target(%arg7 : memref<640xf32, #tpu.memory_space<vmem>>) target_semaphore(%arg10 : memref<!tpu.dma_semaphore, #tpu.memory_space<semaphore_mem>>)
    %mul3A_202 = arith.constant 640 : i32
    %mul3A_203 = arith.muli %arg1, %mul3A_202 : i32
    %dma_wait3A_204 = tpu.memref_slice %arg8[%mul3A_203] : memref<163840xf32, #tpu.memory_space<vmem_shared>> -> memref<640xf32, #tpu.memory_space<vmem_shared>>
    %dma_wait3A_205 = tpu.memref_slice %arg8[%mul3A_203] : memref<163840xf32, #tpu.memory_space<vmem_shared>> -> memref<640xf32, #tpu.memory_space<vmem_shared>>
    tpu.wait_dma2 semaphore(%arg9 : memref<!tpu.dma_semaphore, #tpu.memory_space<semaphore_mem>>) src(%dma_wait3A_205 : memref<640xf32, #tpu.memory_space<vmem_shared>>) dst(%arg6 : memref<640xf32, #tpu.memory_space<vmem>>)
    %scan3A_206 = arith.constant 0 : i32
    %scan3A_207 = arith.constant 40 : i32
    %scan3A_208 = arith.addi %scan3A_206, %scan3A_207 : i32
    %scan3A_209 = arith.constant 1 : i32
    scf.for %scan3A_255 = %scan3A_206 to %scan3A_208 step %scan3A_209  : i32 {
      %mul3A_256 = arith.constant 1 : i32
      %mul3A_257 = arith.muli %scan3A_255, %mul3A_256 : i32
      %add3A_258 = arith.constant 0 : i32
      %add3A_259 = arith.addi %add3A_258, %mul3A_257 : i32
      %mul3A_260 = arith.constant 16 : i32
      %mul3A_261 = arith.muli %add3A_259, %mul3A_260 : i32
      %get3A = arith.index_cast %mul3A_261 : i32 to index
      %get3A_262 = tpu.vector_load %arg5[%get3A] {strides = array<i32>} : memref<10240xf32, #tpu.memory_space<vmem>>, vector<16xf32>,
      %mul3A_263 = arith.constant 16 : i32
      %mul3A_264 = arith.muli %add3A_259, %mul3A_263 : i32
      %get3A_265 = arith.index_cast %mul3A_264 : i32 to index
      %get3A_266 = tpu.vector_load %arg6[%get3A_265] {strides = array<i32>} : memref<640xf32, #tpu.memory_space<vmem>>, vector<16xf32>,
      %add3A_267 = arith.addf %get3A_262, %get3A_266 : vector<16xf32>
      %mul3A_268 = arith.constant 16 : i32
      %mul3A_269 = arith.muli %add3A_259, %mul3A_268 : i32
      %swap3A = arith.index_cast %mul3A_269 : i32 to index
      %swap3A_270 = tpu.vector_load %arg5[%swap3A] {strides = array<i32>} : memref<10240xf32, #tpu.memory_space<vmem>>, vector<16xf32>,
      tpu.vector_store %arg5[%swap3A], %add3A_267 {strides = array<i32>} : memref<10240xf32, #tpu.memory_space<vmem>>, vector<16xf32>,
    }
    %scan3A_210 = arith.constant 40 : i32
    %mul3A_211 = arith.constant 640 : i32
    %mul3A_212 = arith.muli %arg1, %mul3A_211 : i32
    %add3A_213 = arith.constant 143360 : i32
    %add3A_214 = arith.addi %add3A_213, %mul3A_212 : i32
    %dma_start3A_215 = tpu.memref_slice %arg8[%add3A_214] : memref<163840xf32, #tpu.memory_space<vmem_shared>> -> memref<640xf32, #tpu.memory_space<vmem_shared>>
    %dma_start3A_216 = tpu.memref_slice %arg8[%add3A_214] : memref<163840xf32, #tpu.memory_space<vmem_shared>> -> memref<640xf32, #tpu.memory_space<vmem_shared>>
    tpu.enqueue_dma source(%dma_start3A_216 : memref<640xf32, #tpu.memory_space<vmem_shared>>) target(%arg6 : memref<640xf32, #tpu.memory_space<vmem>>) target_semaphore(%arg9 : memref<!tpu.dma_semaphore, #tpu.memory_space<semaphore_mem>>)
    %mul3A_217 = arith.constant 640 : i32
    %mul3A_218 = arith.muli %arg1, %mul3A_217 : i32
    %dma_wait3A_219 = tpu.memref_slice %arg8[%mul3A_218] : memref<163840xf32, #tpu.memory_space<vmem_shared>> -> memref<640xf32, #tpu.memory_space<vmem_shared>>
    %dma_wait3A_220 = tpu.memref_slice %arg8[%mul3A_218] : memref<163840xf32, #tpu.memory_space<vmem_shared>> -> memref<640xf32, #tpu.memory_space<vmem_shared>>
    tpu.wait_dma2 semaphore(%arg10 : memref<!tpu.dma_semaphore, #tpu.memory_space<semaphore_mem>>) src(%dma_wait3A_220 : memref<640xf32, #tpu.memory_space<vmem_shared>>) dst(%arg7 : memref<640xf32, #tpu.memory_space<vmem>>)
    %scan3A_221 = arith.constant 0 : i32
    %scan3A_222 = arith.constant 40 : i32
    %scan3A_223 = arith.addi %scan3A_221, %scan3A_222 : i32
    %scan3A_224 = arith.constant 1 : i32
    scf.for %scan3A_255 = %scan3A_221 to %scan3A_223 step %scan3A_224  : i32 {
      %mul3A_256 = arith.constant 1 : i32
      %mul3A_257 = arith.muli %scan3A_255, %mul3A_256 : i32
      %add3A_258 = arith.constant 0 : i32
      %add3A_259 = arith.addi %add3A_258, %mul3A_257 : i32
      %mul3A_260 = arith.constant 16 : i32
      %mul3A_261 = arith.muli %add3A_259, %mul3A_260 : i32
      %get3A = arith.index_cast %mul3A_261 : i32 to index
      %get3A_262 = tpu.vector_load %arg5[%get3A] {strides = array<i32>} : memref<10240xf32, #tpu.memory_space<vmem>>, vector<16xf32>,
      %mul3A_263 = arith.constant 16 : i32
      %mul3A_264 = arith.muli %add3A_259, %mul3A_263 : i32
      %get3A_265 = arith.index_cast %mul3A_264 : i32 to index
      %get3A_266 = tpu.vector_load %arg7[%get3A_265] {strides = array<i32>} : memref<640xf32, #tpu.memory_space<vmem>>, vector<16xf32>,
      %add3A_267 = arith.addf %get3A_262, %get3A_266 : vector<16xf32>
      %mul3A_268 = arith.constant 16 : i32
      %mul3A_269 = arith.muli %add3A_259, %mul3A_268 : i32
      %swap3A = arith.index_cast %mul3A_269 : i32 to index
      %swap3A_270 = tpu.vector_load %arg5[%swap3A] {strides = array<i32>} : memref<10240xf32, #tpu.memory_space<vmem>>, vector<16xf32>,
      tpu.vector_store %arg5[%swap3A], %add3A_267 {strides = array<i32>} : memref<10240xf32, #tpu.memory_space<vmem>>, vector<16xf32>,
    }
    %scan3A_225 = arith.constant 40 : i32
    %mul3A_226 = arith.constant 640 : i32
    %mul3A_227 = arith.muli %arg1, %mul3A_226 : i32
    %add3A_228 = arith.constant 153600 : i32
    %add3A_229 = arith.addi %add3A_228, %mul3A_227 : i32
    %dma_start3A_230 = tpu.memref_slice %arg8[%add3A_229] : memref<163840xf32, #tpu.memory_space<vmem_shared>> -> memref<640xf32, #tpu.memory_space<vmem_shared>>
    %dma_start3A_231 = tpu.memref_slice %arg8[%add3A_229] : memref<163840xf32, #tpu.memory_space<vmem_shared>> -> memref<640xf32, #tpu.memory_space<vmem_shared>>
    tpu.enqueue_dma source(%dma_start3A_231 : memref<640xf32, #tpu.memory_space<vmem_shared>>) target(%arg7 : memref<640xf32, #tpu.memory_space<vmem>>) target_semaphore(%arg10 : memref<!tpu.dma_semaphore, #tpu.memory_space<semaphore_mem>>)
    %mul3A_232 = arith.constant 640 : i32
    %mul3A_233 = arith.muli %arg1, %mul3A_232 : i32
    %dma_wait3A_234 = tpu.memref_slice %arg8[%mul3A_233] : memref<163840xf32, #tpu.memory_space<vmem_shared>> -> memref<640xf32, #tpu.memory_space<vmem_shared>>
    %dma_wait3A_235 = tpu.memref_slice %arg8[%mul3A_233] : memref<163840xf32, #tpu.memory_space<vmem_shared>> -> memref<640xf32, #tpu.memory_space<vmem_shared>>
    tpu.wait_dma2 semaphore(%arg9 : memref<!tpu.dma_semaphore, #tpu.memory_space<semaphore_mem>>) src(%dma_wait3A_235 : memref<640xf32, #tpu.memory_space<vmem_shared>>) dst(%arg6 : memref<640xf32, #tpu.memory_space<vmem>>)
    %scan3A_236 = arith.constant 0 : i32
    %scan3A_237 = arith.constant 40 : i32
    %scan3A_238 = arith.addi %scan3A_236, %scan3A_237 : i32
    %scan3A_239 = arith.constant 1 : i32
    scf.for %scan3A_255 = %scan3A_236 to %scan3A_238 step %scan3A_239  : i32 {
      %mul3A_256 = arith.constant 1 : i32
      %mul3A_257 = arith.muli %scan3A_255, %mul3A_256 : i32
      %add3A_258 = arith.constant 0 : i32
      %add3A_259 = arith.addi %add3A_258, %mul3A_257 : i32
      %mul3A_260 = arith.constant 16 : i32
      %mul3A_261 = arith.muli %add3A_259, %mul3A_260 : i32
      %get3A = arith.index_cast %mul3A_261 : i32 to index
      %get3A_262 = tpu.vector_load %arg5[%get3A] {strides = array<i32>} : memref<10240xf32, #tpu.memory_space<vmem>>, vector<16xf32>,
      %mul3A_263 = arith.constant 16 : i32
      %mul3A_264 = arith.muli %add3A_259, %mul3A_263 : i32
      %get3A_265 = arith.index_cast %mul3A_264 : i32 to index
      %get3A_266 = tpu.vector_load %arg6[%get3A_265] {strides = array<i32>} : memref<640xf32, #tpu.memory_space<vmem>>, vector<16xf32>,
      %add3A_267 = arith.addf %get3A_262, %get3A_266 : vector<16xf32>
      %mul3A_268 = arith.constant 16 : i32
      %mul3A_269 = arith.muli %add3A_259, %mul3A_268 : i32
      %swap3A = arith.index_cast %mul3A_269 : i32 to index
      %swap3A_270 = tpu.vector_load %arg5[%swap3A] {strides = array<i32>} : memref<10240xf32, #tpu.memory_space<vmem>>, vector<16xf32>,
      tpu.vector_store %arg5[%swap3A], %add3A_267 {strides = array<i32>} : memref<10240xf32, #tpu.memory_space<vmem>>, vector<16xf32>,
    }
    %scan3A_240 = arith.constant 40 : i32
    %mul3A_241 = arith.constant 640 : i32
    %mul3A_242 = arith.muli %arg1, %mul3A_241 : i32
    %dma_wait3A_243 = tpu.memref_slice %arg8[%mul3A_242] : memref<163840xf32, #tpu.memory_space<vmem_shared>> -> memref<640xf32, #tpu.memory_space<vmem_shared>>
    %dma_wait3A_244 = tpu.memref_slice %arg8[%mul3A_242] : memref<163840xf32, #tpu.memory_space<vmem_shared>> -> memref<640xf32, #tpu.memory_space<vmem_shared>>
    tpu.wait_dma2 semaphore(%arg10 : memref<!tpu.dma_semaphore, #tpu.memory_space<semaphore_mem>>) src(%dma_wait3A_244 : memref<640xf32, #tpu.memory_space<vmem_shared>>) dst(%arg7 : memref<640xf32, #tpu.memory_space<vmem>>)
    %scan3A_245 = arith.constant 0 : i32
    %scan3A_246 = arith.constant 40 : i32
    %scan3A_247 = arith.addi %scan3A_245, %scan3A_246 : i32
    %scan3A_248 = arith.constant 1 : i32
    scf.for %scan3A_255 = %scan3A_245 to %scan3A_247 step %scan3A_248  : i32 {
      %mul3A_256 = arith.constant 1 : i32
      %mul3A_257 = arith.muli %scan3A_255, %mul3A_256 : i32
      %add3A_258 = arith.constant 0 : i32
      %add3A_259 = arith.addi %add3A_258, %mul3A_257 : i32
      %mul3A_260 = arith.constant 16 : i32
      %mul3A_261 = arith.muli %add3A_259, %mul3A_260 : i32
      %get3A = arith.index_cast %mul3A_261 : i32 to index
      %get3A_262 = tpu.vector_load %arg5[%get3A] {strides = array<i32>} : memref<10240xf32, #tpu.memory_space<vmem>>, vector<16xf32>,
      %mul3A_263 = arith.constant 16 : i32
      %mul3A_264 = arith.muli %add3A_259, %mul3A_263 : i32
      %get3A_265 = arith.index_cast %mul3A_264 : i32 to index
      %get3A_266 = tpu.vector_load %arg7[%get3A_265] {strides = array<i32>} : memref<640xf32, #tpu.memory_space<vmem>>, vector<16xf32>,
      %add3A_267 = arith.addf %get3A_262, %get3A_266 : vector<16xf32>
      %mul3A_268 = arith.constant 16 : i32
      %mul3A_269 = arith.muli %add3A_259, %mul3A_268 : i32
      %swap3A = arith.index_cast %mul3A_269 : i32 to index
      %swap3A_270 = tpu.vector_load %arg5[%swap3A] {strides = array<i32>} : memref<10240xf32, #tpu.memory_space<vmem>>, vector<16xf32>,
      tpu.vector_store %arg5[%swap3A], %add3A_267 {strides = array<i32>} : memref<10240xf32, #tpu.memory_space<vmem>>, vector<16xf32>,
    }
    %scan3A_249 = arith.constant 40 : i32
    %mul3A_250 = arith.constant 10240 : i32
    %mul3A_251 = arith.muli %arg0, %mul3A_250 : i32
    %mul3A_252 = arith.constant 640 : i32
    %mul3A_253 = arith.muli %arg1, %mul3A_252 : i32
    %add3A_254 = arith.addi %mul3A_251, %mul3A_253 : i32
    "tpu.region"() ({
      %run_scoped3A = tpu.sem_alloc : memref<!tpu.dma_semaphore, #tpu.memory_space<semaphore_mem>>
      %dma_start3A_255 = arith.constant 0 : i32
      %dma_start3A_256 = tpu.memref_slice %arg5[%dma_start3A_255] : memref<10240xf32, #tpu.memory_space<vmem>> -> memref<640xf32, #tpu.memory_space<vmem>>
      %dma_start3A_257 = tpu.memref_slice %arg3[%add3A_254] : memref<20480xf32, #tpu.memory_space<hbm>> -> memref<640xf32, #tpu.memory_space<hbm>>
      %dma_start3A_258 = tpu.memref_slice %arg3[%add3A_254] : memref<20480xf32, #tpu.memory_space<hbm>> -> memref<640xf32, #tpu.memory_space<hbm>>
      %dma_start3A_259 = arith.constant 0 : i32
      %dma_start3A_260 = tpu.memref_slice %arg5[%dma_start3A_259] : memref<10240xf32, #tpu.memory_space<vmem>> -> memref<640xf32, #tpu.memory_space<vmem>>
      tpu.enqueue_dma source(%dma_start3A_260 : memref<640xf32, #tpu.memory_space<vmem>>) target(%dma_start3A_258 : memref<640xf32, #tpu.memory_space<hbm>>) target_semaphore(%run_scoped3A : memref<!tpu.dma_semaphore, #tpu.memory_space<semaphore_mem>>)
      %dma_wait3A_261 = arith.constant 0 : i32
      %dma_wait3A_262 = tpu.memref_slice %arg5[%dma_wait3A_261] : memref<10240xf32, #tpu.memory_space<vmem>> -> memref<640xf32, #tpu.memory_space<vmem>>
      %dma_wait3A_263 = tpu.memref_slice %arg3[%add3A_254] : memref<20480xf32, #tpu.memory_space<hbm>> -> memref<640xf32, #tpu.memory_space<hbm>>
      %dma_wait3A_264 = tpu.memref_slice %arg3[%add3A_254] : memref<20480xf32, #tpu.memory_space<hbm>> -> memref<640xf32, #tpu.memory_space<hbm>>
      %dma_wait3A_265 = arith.constant 0 : i32
      %dma_wait3A_266 = tpu.memref_slice %arg5[%dma_wait3A_265] : memref<10240xf32, #tpu.memory_space<vmem>> -> memref<640xf32, #tpu.memory_space<vmem>>
      tpu.wait_dma2 semaphore(%run_scoped3A : memref<!tpu.dma_semaphore, #tpu.memory_space<semaphore_mem>>) src(%dma_wait3A_266 : memref<640xf32, #tpu.memory_space<vmem>>) dst(%dma_wait3A_264 : memref<640xf32, #tpu.memory_space<hbm>>)
      tpu.yield
    }) : () -> ()
    return
  }
}

#map = affine_map<(d0, d1) -> (0, 0)>
#map1 = affine_map<(d0, d1) -> (0)>
#map2 = affine_map<(d0, d1) -> (0, 0, 0)>
module attributes {stable_mosaic.version = 14 : i64} {
  func.func @agg_kernel(%arg0: i32, %arg1: i32, %arg2: memref<10000x128xf32, #tpu.memory_space<hbm>>, %arg3: memref<320000xi32, #tpu.memory_space<hbm>>, %arg4: memref<320000xi32, #tpu.memory_space<hbm>>, %arg5: memref<2x10240x128xf32, #tpu.memory_space<hbm>>, %arg6: memref<10000xi32, #tpu.memory_space<vmem>>, %arg7: memref<10000xi32, #tpu.memory_space<vmem>>, %arg8: memref<40x128xf32, #tpu.memory_space<vmem>>, %arg9: memref<40x128xf32, #tpu.memory_space<vmem>>, %arg10: memref<40x128xf32, #tpu.memory_space<vmem>>, %arg11: memref<40x128xf32, #tpu.memory_space<vmem>>, %arg12: memref<40x128xf32, #tpu.memory_space<vmem>>, %arg13: memref<10240x128xf32, #tpu.memory_space<vmem_shared>>, %arg14: memref<!tpu.dma_semaphore, #tpu.memory_space<semaphore_mem>>, %arg15: memref<!tpu.dma_semaphore, #tpu.memory_space<semaphore_mem>>, %arg16: memref<!tpu.dma_semaphore, #tpu.memory_space<semaphore_mem>>, %arg17: memref<!tpu.dma_semaphore, #tpu.memory_space<semaphore_mem>>, %arg18: memref<!tpu.dma_semaphore, #tpu.memory_space<semaphore_mem>>, %arg19: memref<!tpu.dma_semaphore, #tpu.memory_space<semaphore_mem>>, %arg20: memref<!tpu.dma_semaphore, #tpu.memory_space<semaphore_mem>>, %arg21: memref<!tpu.dma_semaphore, #tpu.memory_space<semaphore_mem>>, %arg22: memref<!tpu.dma_semaphore, #tpu.memory_space<semaphore_mem>>, %arg23: memref<!tpu.dma_semaphore, #tpu.memory_space<semaphore_mem>>) attributes {dimension_semantics = [#tpu.dimension_semantics<core_parallel>, #tpu.dimension_semantics<subcore_parallel>], iteration_bounds = array<i64: 2, 16>, scalar_prefetch = 0 : i64, scratch_operands = 18 : i64, tpu.core_type = #tpu.core_type<sc_vector_subcore>, window_params = [{transform_indices = #map}, {transform_indices = #map1}, {transform_indices = #map1}, {transform_indices = #map2}]} {
    %mul3A = arith.constant 2 : i32
    %mul3A_0 = arith.muli %arg1, %mul3A : i32
    %add3A = arith.addi %mul3A_0, %arg0 : i32
    %scan3A = arith.constant 0 : i32
    %scan3A_1 = arith.constant 40 : i32
    %scan3A_2 = arith.addi %scan3A, %scan3A_1 : i32
    %scan3A_3 = arith.constant 1 : i32
    scf.for %scan3A_250 = %scan3A to %scan3A_2 step %scan3A_3  : i32 {
      %mul3A_251 = arith.constant 1 : i32
      %mul3A_252 = arith.muli %scan3A_250, %mul3A_251 : i32
      %add3A_253 = arith.constant 0 : i32
      %add3A_254 = arith.addi %add3A_253, %mul3A_252 : i32
      %broadcast_in_dim3A = arith.constant 0.000000e+00 : f32
      %broadcast_in_dim3A_255 = vector.broadcast %broadcast_in_dim3A : f32 to vector<16xf32>
      %swap3A = arith.index_cast %add3A_254 : i32 to index
      %swap3A_256 = arith.constant 0 : index
      %swap3A_257 = tpu.vector_load %arg8[%swap3A, %swap3A_256] {strides = array<i32>} : memref<40x128xf32, #tpu.memory_space<vmem>>, vector<1x16xf32>,
      %swap3A_258 = vector.shape_cast %swap3A_257 : vector<1x16xf32> to vector<16xf32>
      %swap3A_259 = vector.shape_cast %broadcast_in_dim3A_255 : vector<16xf32> to vector<1x16xf32>
      tpu.vector_store %arg8[%swap3A, %swap3A_256], %swap3A_259 {strides = array<i32>} : memref<40x128xf32, #tpu.memory_space<vmem>>, vector<1x16xf32>,
      %broadcast_in_dim3A_260 = arith.constant 0.000000e+00 : f32
      %broadcast_in_dim3A_261 = vector.broadcast %broadcast_in_dim3A_260 : f32 to vector<16xf32>
      %swap3A_262 = arith.index_cast %add3A_254 : i32 to index
      %swap3A_263 = arith.constant 16 : index
      %swap3A_264 = tpu.vector_load %arg8[%swap3A_262, %swap3A_263] {strides = array<i32>} : memref<40x128xf32, #tpu.memory_space<vmem>>, vector<1x16xf32>,
      %swap3A_265 = vector.shape_cast %swap3A_264 : vector<1x16xf32> to vector<16xf32>
      %swap3A_266 = vector.shape_cast %broadcast_in_dim3A_261 : vector<16xf32> to vector<1x16xf32>
      tpu.vector_store %arg8[%swap3A_262, %swap3A_263], %swap3A_266 {strides = array<i32>} : memref<40x128xf32, #tpu.memory_space<vmem>>, vector<1x16xf32>,
      %broadcast_in_dim3A_267 = arith.constant 0.000000e+00 : f32
      %broadcast_in_dim3A_268 = vector.broadcast %broadcast_in_dim3A_267 : f32 to vector<16xf32>
      %swap3A_269 = arith.index_cast %add3A_254 : i32 to index
      %swap3A_270 = arith.constant 32 : index
      %swap3A_271 = tpu.vector_load %arg8[%swap3A_269, %swap3A_270] {strides = array<i32>} : memref<40x128xf32, #tpu.memory_space<vmem>>, vector<1x16xf32>,
      %swap3A_272 = vector.shape_cast %swap3A_271 : vector<1x16xf32> to vector<16xf32>
      %swap3A_273 = vector.shape_cast %broadcast_in_dim3A_268 : vector<16xf32> to vector<1x16xf32>
      tpu.vector_store %arg8[%swap3A_269, %swap3A_270], %swap3A_273 {strides = array<i32>} : memref<40x128xf32, #tpu.memory_space<vmem>>, vector<1x16xf32>,
      %broadcast_in_dim3A_274 = arith.constant 0.000000e+00 : f32
      %broadcast_in_dim3A_275 = vector.broadcast %broadcast_in_dim3A_274 : f32 to vector<16xf32>
      %swap3A_276 = arith.index_cast %add3A_254 : i32 to index
      %swap3A_277 = arith.constant 48 : index
      %swap3A_278 = tpu.vector_load %arg8[%swap3A_276, %swap3A_277] {strides = array<i32>} : memref<40x128xf32, #tpu.memory_space<vmem>>, vector<1x16xf32>,
      %swap3A_279 = vector.shape_cast %swap3A_278 : vector<1x16xf32> to vector<16xf32>
      %swap3A_280 = vector.shape_cast %broadcast_in_dim3A_275 : vector<16xf32> to vector<1x16xf32>
      tpu.vector_store %arg8[%swap3A_276, %swap3A_277], %swap3A_280 {strides = array<i32>} : memref<40x128xf32, #tpu.memory_space<vmem>>, vector<1x16xf32>,
      %broadcast_in_dim3A_281 = arith.constant 0.000000e+00 : f32
      %broadcast_in_dim3A_282 = vector.broadcast %broadcast_in_dim3A_281 : f32 to vector<16xf32>
      %swap3A_283 = arith.index_cast %add3A_254 : i32 to index
      %swap3A_284 = arith.constant 64 : index
      %swap3A_285 = tpu.vector_load %arg8[%swap3A_283, %swap3A_284] {strides = array<i32>} : memref<40x128xf32, #tpu.memory_space<vmem>>, vector<1x16xf32>,
      %swap3A_286 = vector.shape_cast %swap3A_285 : vector<1x16xf32> to vector<16xf32>
      %swap3A_287 = vector.shape_cast %broadcast_in_dim3A_282 : vector<16xf32> to vector<1x16xf32>
      tpu.vector_store %arg8[%swap3A_283, %swap3A_284], %swap3A_287 {strides = array<i32>} : memref<40x128xf32, #tpu.memory_space<vmem>>, vector<1x16xf32>,
      %broadcast_in_dim3A_288 = arith.constant 0.000000e+00 : f32
      %broadcast_in_dim3A_289 = vector.broadcast %broadcast_in_dim3A_288 : f32 to vector<16xf32>
      %swap3A_290 = arith.index_cast %add3A_254 : i32 to index
      %swap3A_291 = arith.constant 80 : index
      %swap3A_292 = tpu.vector_load %arg8[%swap3A_290, %swap3A_291] {strides = array<i32>} : memref<40x128xf32, #tpu.memory_space<vmem>>, vector<1x16xf32>,
      %swap3A_293 = vector.shape_cast %swap3A_292 : vector<1x16xf32> to vector<16xf32>
      %swap3A_294 = vector.shape_cast %broadcast_in_dim3A_289 : vector<16xf32> to vector<1x16xf32>
      tpu.vector_store %arg8[%swap3A_290, %swap3A_291], %swap3A_294 {strides = array<i32>} : memref<40x128xf32, #tpu.memory_space<vmem>>, vector<1x16xf32>,
      %broadcast_in_dim3A_295 = arith.constant 0.000000e+00 : f32
      %broadcast_in_dim3A_296 = vector.broadcast %broadcast_in_dim3A_295 : f32 to vector<16xf32>
      %swap3A_297 = arith.index_cast %add3A_254 : i32 to index
      %swap3A_298 = arith.constant 96 : index
      %swap3A_299 = tpu.vector_load %arg8[%swap3A_297, %swap3A_298] {strides = array<i32>} : memref<40x128xf32, #tpu.memory_space<vmem>>, vector<1x16xf32>,
      %swap3A_300 = vector.shape_cast %swap3A_299 : vector<1x16xf32> to vector<16xf32>
      %swap3A_301 = vector.shape_cast %broadcast_in_dim3A_296 : vector<16xf32> to vector<1x16xf32>
      tpu.vector_store %arg8[%swap3A_297, %swap3A_298], %swap3A_301 {strides = array<i32>} : memref<40x128xf32, #tpu.memory_space<vmem>>, vector<1x16xf32>,
      %broadcast_in_dim3A_302 = arith.constant 0.000000e+00 : f32
      %broadcast_in_dim3A_303 = vector.broadcast %broadcast_in_dim3A_302 : f32 to vector<16xf32>
      %swap3A_304 = arith.index_cast %add3A_254 : i32 to index
      %swap3A_305 = arith.constant 112 : index
      %swap3A_306 = tpu.vector_load %arg8[%swap3A_304, %swap3A_305] {strides = array<i32>} : memref<40x128xf32, #tpu.memory_space<vmem>>, vector<1x16xf32>,
      %swap3A_307 = vector.shape_cast %swap3A_306 : vector<1x16xf32> to vector<16xf32>
      %swap3A_308 = vector.shape_cast %broadcast_in_dim3A_303 : vector<16xf32> to vector<1x16xf32>
      tpu.vector_store %arg8[%swap3A_304, %swap3A_305], %swap3A_308 {strides = array<i32>} : memref<40x128xf32, #tpu.memory_space<vmem>>, vector<1x16xf32>,
    }
    %scan3A_4 = arith.constant 40 : i32
    %mul3A_5 = arith.constant 640 : i32
    %mul3A_6 = arith.muli %arg1, %mul3A_5 : i32
    %add3A_7 = arith.constant 0 : i32
    %add3A_8 = arith.addi %mul3A_6, %add3A_7 : i32
    %dma_start3A = arith.constant 0 : i32
    %dma_start3A_9 = tpu.memref_slice %arg13[%add3A_8, %dma_start3A] : memref<10240x128xf32, #tpu.memory_space<vmem_shared>> -> memref<40x128xf32, #tpu.memory_space<vmem_shared>>
    %dma_start3A_10 = arith.constant 0 : i32
    %dma_start3A_11 = tpu.memref_slice %arg13[%add3A_8, %dma_start3A_10] : memref<10240x128xf32, #tpu.memory_space<vmem_shared>> -> memref<40x128xf32, #tpu.memory_space<vmem_shared>>
    tpu.enqueue_dma source(%arg8 : memref<40x128xf32, #tpu.memory_space<vmem>>) target(%dma_start3A_11 : memref<40x128xf32, #tpu.memory_space<vmem_shared>>) target_semaphore(%arg19 : memref<!tpu.dma_semaphore, #tpu.memory_space<semaphore_mem>>)
    %mul3A_12 = arith.constant 640 : i32
    %mul3A_13 = arith.muli %arg1, %mul3A_12 : i32
    %add3A_14 = arith.constant 40 : i32
    %add3A_15 = arith.addi %mul3A_13, %add3A_14 : i32
    %dma_start3A_16 = arith.constant 0 : i32
    %dma_start3A_17 = tpu.memref_slice %arg13[%add3A_15, %dma_start3A_16] : memref<10240x128xf32, #tpu.memory_space<vmem_shared>> -> memref<40x128xf32, #tpu.memory_space<vmem_shared>>
    %dma_start3A_18 = arith.constant 0 : i32
    %dma_start3A_19 = tpu.memref_slice %arg13[%add3A_15, %dma_start3A_18] : memref<10240x128xf32, #tpu.memory_space<vmem_shared>> -> memref<40x128xf32, #tpu.memory_space<vmem_shared>>
    tpu.enqueue_dma source(%arg8 : memref<40x128xf32, #tpu.memory_space<vmem>>) target(%dma_start3A_19 : memref<40x128xf32, #tpu.memory_space<vmem_shared>>) target_semaphore(%arg19 : memref<!tpu.dma_semaphore, #tpu.memory_space<semaphore_mem>>)
    %mul3A_20 = arith.constant 640 : i32
    %mul3A_21 = arith.muli %arg1, %mul3A_20 : i32
    %add3A_22 = arith.constant 80 : i32
    %add3A_23 = arith.addi %mul3A_21, %add3A_22 : i32
    %dma_start3A_24 = arith.constant 0 : i32
    %dma_start3A_25 = tpu.memref_slice %arg13[%add3A_23, %dma_start3A_24] : memref<10240x128xf32, #tpu.memory_space<vmem_shared>> -> memref<40x128xf32, #tpu.memory_space<vmem_shared>>
    %dma_start3A_26 = arith.constant 0 : i32
    %dma_start3A_27 = tpu.memref_slice %arg13[%add3A_23, %dma_start3A_26] : memref<10240x128xf32, #tpu.memory_space<vmem_shared>> -> memref<40x128xf32, #tpu.memory_space<vmem_shared>>
    tpu.enqueue_dma source(%arg8 : memref<40x128xf32, #tpu.memory_space<vmem>>) target(%dma_start3A_27 : memref<40x128xf32, #tpu.memory_space<vmem_shared>>) target_semaphore(%arg19 : memref<!tpu.dma_semaphore, #tpu.memory_space<semaphore_mem>>)
    %mul3A_28 = arith.constant 640 : i32
    %mul3A_29 = arith.muli %arg1, %mul3A_28 : i32
    %add3A_30 = arith.constant 120 : i32
    %add3A_31 = arith.addi %mul3A_29, %add3A_30 : i32
    %dma_start3A_32 = arith.constant 0 : i32
    %dma_start3A_33 = tpu.memref_slice %arg13[%add3A_31, %dma_start3A_32] : memref<10240x128xf32, #tpu.memory_space<vmem_shared>> -> memref<40x128xf32, #tpu.memory_space<vmem_shared>>
    %dma_start3A_34 = arith.constant 0 : i32
    %dma_start3A_35 = tpu.memref_slice %arg13[%add3A_31, %dma_start3A_34] : memref<10240x128xf32, #tpu.memory_space<vmem_shared>> -> memref<40x128xf32, #tpu.memory_space<vmem_shared>>
    tpu.enqueue_dma source(%arg8 : memref<40x128xf32, #tpu.memory_space<vmem>>) target(%dma_start3A_35 : memref<40x128xf32, #tpu.memory_space<vmem_shared>>) target_semaphore(%arg19 : memref<!tpu.dma_semaphore, #tpu.memory_space<semaphore_mem>>)
    %mul3A_36 = arith.constant 640 : i32
    %mul3A_37 = arith.muli %arg1, %mul3A_36 : i32
    %add3A_38 = arith.constant 160 : i32
    %add3A_39 = arith.addi %mul3A_37, %add3A_38 : i32
    %dma_start3A_40 = arith.constant 0 : i32
    %dma_start3A_41 = tpu.memref_slice %arg13[%add3A_39, %dma_start3A_40] : memref<10240x128xf32, #tpu.memory_space<vmem_shared>> -> memref<40x128xf32, #tpu.memory_space<vmem_shared>>
    %dma_start3A_42 = arith.constant 0 : i32
    %dma_start3A_43 = tpu.memref_slice %arg13[%add3A_39, %dma_start3A_42] : memref<10240x128xf32, #tpu.memory_space<vmem_shared>> -> memref<40x128xf32, #tpu.memory_space<vmem_shared>>
    tpu.enqueue_dma source(%arg8 : memref<40x128xf32, #tpu.memory_space<vmem>>) target(%dma_start3A_43 : memref<40x128xf32, #tpu.memory_space<vmem_shared>>) target_semaphore(%arg19 : memref<!tpu.dma_semaphore, #tpu.memory_space<semaphore_mem>>)
    %mul3A_44 = arith.constant 640 : i32
    %mul3A_45 = arith.muli %arg1, %mul3A_44 : i32
    %add3A_46 = arith.constant 200 : i32
    %add3A_47 = arith.addi %mul3A_45, %add3A_46 : i32
    %dma_start3A_48 = arith.constant 0 : i32
    %dma_start3A_49 = tpu.memref_slice %arg13[%add3A_47, %dma_start3A_48] : memref<10240x128xf32, #tpu.memory_space<vmem_shared>> -> memref<40x128xf32, #tpu.memory_space<vmem_shared>>
    %dma_start3A_50 = arith.constant 0 : i32
    %dma_start3A_51 = tpu.memref_slice %arg13[%add3A_47, %dma_start3A_50] : memref<10240x128xf32, #tpu.memory_space<vmem_shared>> -> memref<40x128xf32, #tpu.memory_space<vmem_shared>>
    tpu.enqueue_dma source(%arg8 : memref<40x128xf32, #tpu.memory_space<vmem>>) target(%dma_start3A_51 : memref<40x128xf32, #tpu.memory_space<vmem_shared>>) target_semaphore(%arg19 : memref<!tpu.dma_semaphore, #tpu.memory_space<semaphore_mem>>)
    %mul3A_52 = arith.constant 640 : i32
    %mul3A_53 = arith.muli %arg1, %mul3A_52 : i32
    %add3A_54 = arith.constant 240 : i32
    %add3A_55 = arith.addi %mul3A_53, %add3A_54 : i32
    %dma_start3A_56 = arith.constant 0 : i32
    %dma_start3A_57 = tpu.memref_slice %arg13[%add3A_55, %dma_start3A_56] : memref<10240x128xf32, #tpu.memory_space<vmem_shared>> -> memref<40x128xf32, #tpu.memory_space<vmem_shared>>
    %dma_start3A_58 = arith.constant 0 : i32
    %dma_start3A_59 = tpu.memref_slice %arg13[%add3A_55, %dma_start3A_58] : memref<10240x128xf32, #tpu.memory_space<vmem_shared>> -> memref<40x128xf32, #tpu.memory_space<vmem_shared>>
    tpu.enqueue_dma source(%arg8 : memref<40x128xf32, #tpu.memory_space<vmem>>) target(%dma_start3A_59 : memref<40x128xf32, #tpu.memory_space<vmem_shared>>) target_semaphore(%arg19 : memref<!tpu.dma_semaphore, #tpu.memory_space<semaphore_mem>>)
    %mul3A_60 = arith.constant 640 : i32
    %mul3A_61 = arith.muli %arg1, %mul3A_60 : i32
    %add3A_62 = arith.constant 280 : i32
    %add3A_63 = arith.addi %mul3A_61, %add3A_62 : i32
    %dma_start3A_64 = arith.constant 0 : i32
    %dma_start3A_65 = tpu.memref_slice %arg13[%add3A_63, %dma_start3A_64] : memref<10240x128xf32, #tpu.memory_space<vmem_shared>> -> memref<40x128xf32, #tpu.memory_space<vmem_shared>>
    %dma_start3A_66 = arith.constant 0 : i32
    %dma_start3A_67 = tpu.memref_slice %arg13[%add3A_63, %dma_start3A_66] : memref<10240x128xf32, #tpu.memory_space<vmem_shared>> -> memref<40x128xf32, #tpu.memory_space<vmem_shared>>
    tpu.enqueue_dma source(%arg8 : memref<40x128xf32, #tpu.memory_space<vmem>>) target(%dma_start3A_67 : memref<40x128xf32, #tpu.memory_space<vmem_shared>>) target_semaphore(%arg19 : memref<!tpu.dma_semaphore, #tpu.memory_space<semaphore_mem>>)
    %mul3A_68 = arith.constant 640 : i32
    %mul3A_69 = arith.muli %arg1, %mul3A_68 : i32
    %add3A_70 = arith.constant 320 : i32
    %add3A_71 = arith.addi %mul3A_69, %add3A_70 : i32
    %dma_start3A_72 = arith.constant 0 : i32
    %dma_start3A_73 = tpu.memref_slice %arg13[%add3A_71, %dma_start3A_72] : memref<10240x128xf32, #tpu.memory_space<vmem_shared>> -> memref<40x128xf32, #tpu.memory_space<vmem_shared>>
    %dma_start3A_74 = arith.constant 0 : i32
    %dma_start3A_75 = tpu.memref_slice %arg13[%add3A_71, %dma_start3A_74] : memref<10240x128xf32, #tpu.memory_space<vmem_shared>> -> memref<40x128xf32, #tpu.memory_space<vmem_shared>>
    tpu.enqueue_dma source(%arg8 : memref<40x128xf32, #tpu.memory_space<vmem>>) target(%dma_start3A_75 : memref<40x128xf32, #tpu.memory_space<vmem_shared>>) target_semaphore(%arg19 : memref<!tpu.dma_semaphore, #tpu.memory_space<semaphore_mem>>)
    %mul3A_76 = arith.constant 640 : i32
    %mul3A_77 = arith.muli %arg1, %mul3A_76 : i32
    %add3A_78 = arith.constant 360 : i32
    %add3A_79 = arith.addi %mul3A_77, %add3A_78 : i32
    %dma_start3A_80 = arith.constant 0 : i32
    %dma_start3A_81 = tpu.memref_slice %arg13[%add3A_79, %dma_start3A_80] : memref<10240x128xf32, #tpu.memory_space<vmem_shared>> -> memref<40x128xf32, #tpu.memory_space<vmem_shared>>
    %dma_start3A_82 = arith.constant 0 : i32
    %dma_start3A_83 = tpu.memref_slice %arg13[%add3A_79, %dma_start3A_82] : memref<10240x128xf32, #tpu.memory_space<vmem_shared>> -> memref<40x128xf32, #tpu.memory_space<vmem_shared>>
    tpu.enqueue_dma source(%arg8 : memref<40x128xf32, #tpu.memory_space<vmem>>) target(%dma_start3A_83 : memref<40x128xf32, #tpu.memory_space<vmem_shared>>) target_semaphore(%arg19 : memref<!tpu.dma_semaphore, #tpu.memory_space<semaphore_mem>>)
    %mul3A_84 = arith.constant 640 : i32
    %mul3A_85 = arith.muli %arg1, %mul3A_84 : i32
    %add3A_86 = arith.constant 400 : i32
    %add3A_87 = arith.addi %mul3A_85, %add3A_86 : i32
    %dma_start3A_88 = arith.constant 0 : i32
    %dma_start3A_89 = tpu.memref_slice %arg13[%add3A_87, %dma_start3A_88] : memref<10240x128xf32, #tpu.memory_space<vmem_shared>> -> memref<40x128xf32, #tpu.memory_space<vmem_shared>>
    %dma_start3A_90 = arith.constant 0 : i32
    %dma_start3A_91 = tpu.memref_slice %arg13[%add3A_87, %dma_start3A_90] : memref<10240x128xf32, #tpu.memory_space<vmem_shared>> -> memref<40x128xf32, #tpu.memory_space<vmem_shared>>
    tpu.enqueue_dma source(%arg8 : memref<40x128xf32, #tpu.memory_space<vmem>>) target(%dma_start3A_91 : memref<40x128xf32, #tpu.memory_space<vmem_shared>>) target_semaphore(%arg19 : memref<!tpu.dma_semaphore, #tpu.memory_space<semaphore_mem>>)
    %mul3A_92 = arith.constant 640 : i32
    %mul3A_93 = arith.muli %arg1, %mul3A_92 : i32
    %add3A_94 = arith.constant 440 : i32
    %add3A_95 = arith.addi %mul3A_93, %add3A_94 : i32
    %dma_start3A_96 = arith.constant 0 : i32
    %dma_start3A_97 = tpu.memref_slice %arg13[%add3A_95, %dma_start3A_96] : memref<10240x128xf32, #tpu.memory_space<vmem_shared>> -> memref<40x128xf32, #tpu.memory_space<vmem_shared>>
    %dma_start3A_98 = arith.constant 0 : i32
    %dma_start3A_99 = tpu.memref_slice %arg13[%add3A_95, %dma_start3A_98] : memref<10240x128xf32, #tpu.memory_space<vmem_shared>> -> memref<40x128xf32, #tpu.memory_space<vmem_shared>>
    tpu.enqueue_dma source(%arg8 : memref<40x128xf32, #tpu.memory_space<vmem>>) target(%dma_start3A_99 : memref<40x128xf32, #tpu.memory_space<vmem_shared>>) target_semaphore(%arg19 : memref<!tpu.dma_semaphore, #tpu.memory_space<semaphore_mem>>)
    %mul3A_100 = arith.constant 640 : i32
    %mul3A_101 = arith.muli %arg1, %mul3A_100 : i32
    %add3A_102 = arith.constant 480 : i32
    %add3A_103 = arith.addi %mul3A_101, %add3A_102 : i32
    %dma_start3A_104 = arith.constant 0 : i32
    %dma_start3A_105 = tpu.memref_slice %arg13[%add3A_103, %dma_start3A_104] : memref<10240x128xf32, #tpu.memory_space<vmem_shared>> -> memref<40x128xf32, #tpu.memory_space<vmem_shared>>
    %dma_start3A_106 = arith.constant 0 : i32
    %dma_start3A_107 = tpu.memref_slice %arg13[%add3A_103, %dma_start3A_106] : memref<10240x128xf32, #tpu.memory_space<vmem_shared>> -> memref<40x128xf32, #tpu.memory_space<vmem_shared>>
    tpu.enqueue_dma source(%arg8 : memref<40x128xf32, #tpu.memory_space<vmem>>) target(%dma_start3A_107 : memref<40x128xf32, #tpu.memory_space<vmem_shared>>) target_semaphore(%arg19 : memref<!tpu.dma_semaphore, #tpu.memory_space<semaphore_mem>>)
    %mul3A_108 = arith.constant 640 : i32
    %mul3A_109 = arith.muli %arg1, %mul3A_108 : i32
    %add3A_110 = arith.constant 520 : i32
    %add3A_111 = arith.addi %mul3A_109, %add3A_110 : i32
    %dma_start3A_112 = arith.constant 0 : i32
    %dma_start3A_113 = tpu.memref_slice %arg13[%add3A_111, %dma_start3A_112] : memref<10240x128xf32, #tpu.memory_space<vmem_shared>> -> memref<40x128xf32, #tpu.memory_space<vmem_shared>>
    %dma_start3A_114 = arith.constant 0 : i32
    %dma_start3A_115 = tpu.memref_slice %arg13[%add3A_111, %dma_start3A_114] : memref<10240x128xf32, #tpu.memory_space<vmem_shared>> -> memref<40x128xf32, #tpu.memory_space<vmem_shared>>
    tpu.enqueue_dma source(%arg8 : memref<40x128xf32, #tpu.memory_space<vmem>>) target(%dma_start3A_115 : memref<40x128xf32, #tpu.memory_space<vmem_shared>>) target_semaphore(%arg19 : memref<!tpu.dma_semaphore, #tpu.memory_space<semaphore_mem>>)
    %mul3A_116 = arith.constant 640 : i32
    %mul3A_117 = arith.muli %arg1, %mul3A_116 : i32
    %add3A_118 = arith.constant 560 : i32
    %add3A_119 = arith.addi %mul3A_117, %add3A_118 : i32
    %dma_start3A_120 = arith.constant 0 : i32
    %dma_start3A_121 = tpu.memref_slice %arg13[%add3A_119, %dma_start3A_120] : memref<10240x128xf32, #tpu.memory_space<vmem_shared>> -> memref<40x128xf32, #tpu.memory_space<vmem_shared>>
    %dma_start3A_122 = arith.constant 0 : i32
    %dma_start3A_123 = tpu.memref_slice %arg13[%add3A_119, %dma_start3A_122] : memref<10240x128xf32, #tpu.memory_space<vmem_shared>> -> memref<40x128xf32, #tpu.memory_space<vmem_shared>>
    tpu.enqueue_dma source(%arg8 : memref<40x128xf32, #tpu.memory_space<vmem>>) target(%dma_start3A_123 : memref<40x128xf32, #tpu.memory_space<vmem_shared>>) target_semaphore(%arg19 : memref<!tpu.dma_semaphore, #tpu.memory_space<semaphore_mem>>)
    %mul3A_124 = arith.constant 640 : i32
    %mul3A_125 = arith.muli %arg1, %mul3A_124 : i32
    %add3A_126 = arith.constant 600 : i32
    %add3A_127 = arith.addi %mul3A_125, %add3A_126 : i32
    %dma_start3A_128 = arith.constant 0 : i32
    %dma_start3A_129 = tpu.memref_slice %arg13[%add3A_127, %dma_start3A_128] : memref<10240x128xf32, #tpu.memory_space<vmem_shared>> -> memref<40x128xf32, #tpu.memory_space<vmem_shared>>
    %dma_start3A_130 = arith.constant 0 : i32
    %dma_start3A_131 = tpu.memref_slice %arg13[%add3A_127, %dma_start3A_130] : memref<10240x128xf32, #tpu.memory_space<vmem_shared>> -> memref<40x128xf32, #tpu.memory_space<vmem_shared>>
    tpu.enqueue_dma source(%arg8 : memref<40x128xf32, #tpu.memory_space<vmem>>) target(%dma_start3A_131 : memref<40x128xf32, #tpu.memory_space<vmem_shared>>) target_semaphore(%arg19 : memref<!tpu.dma_semaphore, #tpu.memory_space<semaphore_mem>>)
    %mul3A_132 = arith.constant 10000 : i32
    %mul3A_133 = arith.muli %add3A, %mul3A_132 : i32
    "tpu.region"() ({
      %run_scoped3A = tpu.sem_alloc : memref<!tpu.dma_semaphore, #tpu.memory_space<semaphore_mem>>
      %dma_start3A_250 = tpu.memref_slice %arg3[%mul3A_133] : memref<320000xi32, #tpu.memory_space<hbm>> -> memref<10000xi32, #tpu.memory_space<hbm>>
      %dma_start3A_251 = tpu.memref_slice %arg3[%mul3A_133] : memref<320000xi32, #tpu.memory_space<hbm>> -> memref<10000xi32, #tpu.memory_space<hbm>>
      tpu.enqueue_dma source(%dma_start3A_251 : memref<10000xi32, #tpu.memory_space<hbm>>) target(%arg6 : memref<10000xi32, #tpu.memory_space<vmem>>) target_semaphore(%run_scoped3A : memref<!tpu.dma_semaphore, #tpu.memory_space<semaphore_mem>>)
      %dma_wait3A_252 = tpu.memref_slice %arg3[%mul3A_133] : memref<320000xi32, #tpu.memory_space<hbm>> -> memref<10000xi32, #tpu.memory_space<hbm>>
      %dma_wait3A_253 = tpu.memref_slice %arg3[%mul3A_133] : memref<320000xi32, #tpu.memory_space<hbm>> -> memref<10000xi32, #tpu.memory_space<hbm>>
      tpu.wait_dma2 semaphore(%run_scoped3A : memref<!tpu.dma_semaphore, #tpu.memory_space<semaphore_mem>>) src(%dma_wait3A_253 : memref<10000xi32, #tpu.memory_space<hbm>>) dst(%arg6 : memref<10000xi32, #tpu.memory_space<vmem>>)
      tpu.yield
    }) : () -> ()
    %mul3A_134 = arith.constant 10000 : i32
    %mul3A_135 = arith.muli %add3A, %mul3A_134 : i32
    "tpu.region"() ({
      %run_scoped3A = tpu.sem_alloc : memref<!tpu.dma_semaphore, #tpu.memory_space<semaphore_mem>>
      %dma_start3A_250 = tpu.memref_slice %arg4[%mul3A_135] : memref<320000xi32, #tpu.memory_space<hbm>> -> memref<10000xi32, #tpu.memory_space<hbm>>
      %dma_start3A_251 = tpu.memref_slice %arg4[%mul3A_135] : memref<320000xi32, #tpu.memory_space<hbm>> -> memref<10000xi32, #tpu.memory_space<hbm>>
      tpu.enqueue_dma source(%dma_start3A_251 : memref<10000xi32, #tpu.memory_space<hbm>>) target(%arg7 : memref<10000xi32, #tpu.memory_space<vmem>>) target_semaphore(%run_scoped3A : memref<!tpu.dma_semaphore, #tpu.memory_space<semaphore_mem>>)
      %dma_wait3A_252 = tpu.memref_slice %arg4[%mul3A_135] : memref<320000xi32, #tpu.memory_space<hbm>> -> memref<10000xi32, #tpu.memory_space<hbm>>
      %dma_wait3A_253 = tpu.memref_slice %arg4[%mul3A_135] : memref<320000xi32, #tpu.memory_space<hbm>> -> memref<10000xi32, #tpu.memory_space<hbm>>
      tpu.wait_dma2 semaphore(%run_scoped3A : memref<!tpu.dma_semaphore, #tpu.memory_space<semaphore_mem>>) src(%dma_wait3A_253 : memref<10000xi32, #tpu.memory_space<hbm>>) dst(%arg7 : memref<10000xi32, #tpu.memory_space<vmem>>)
      tpu.yield
    }) : () -> ()
    %dma_wait3A = arith.constant 0 : i32
    %dma_wait3A_136 = tpu.memref_slice %arg7[%dma_wait3A] : memref<10000xi32, #tpu.memory_space<vmem>> -> memref<40xi32, #tpu.memory_space<vmem>>
    %dma_wait3A_137 = arith.constant 0 : i32
    %dma_wait3A_138 = arith.constant 0 : i32
    %dma_wait3A_139 = tpu.memref_slice %arg2[%dma_wait3A_137, %dma_wait3A_138] : memref<10000x128xf32, #tpu.memory_space<hbm>> -> memref<10000x128xf32, #tpu.memory_space<hbm>>
    tpu.wait_indirect_dma semaphore(%arg19 : memref<!tpu.dma_semaphore, #tpu.memory_space<semaphore_mem>>) src(%dma_wait3A_139 : memref<10000x128xf32, #tpu.memory_space<hbm>>) dst(%arg8 : memref<40x128xf32, #tpu.memory_space<vmem>>)
    %dma_wait3A_140 = arith.constant 0 : i32
    %dma_wait3A_141 = tpu.memref_slice %arg7[%dma_wait3A_140] : memref<10000xi32, #tpu.memory_space<vmem>> -> memref<40xi32, #tpu.memory_space<vmem>>
    %dma_wait3A_142 = arith.constant 0 : i32
    %dma_wait3A_143 = arith.constant 0 : i32
    %dma_wait3A_144 = tpu.memref_slice %arg2[%dma_wait3A_142, %dma_wait3A_143] : memref<10000x128xf32, #tpu.memory_space<hbm>> -> memref<10000x128xf32, #tpu.memory_space<hbm>>
    tpu.wait_indirect_dma semaphore(%arg19 : memref<!tpu.dma_semaphore, #tpu.memory_space<semaphore_mem>>) src(%dma_wait3A_144 : memref<10000x128xf32, #tpu.memory_space<hbm>>) dst(%arg8 : memref<40x128xf32, #tpu.memory_space<vmem>>)
    %dma_wait3A_145 = arith.constant 0 : i32
    %dma_wait3A_146 = tpu.memref_slice %arg7[%dma_wait3A_145] : memref<10000xi32, #tpu.memory_space<vmem>> -> memref<40xi32, #tpu.memory_space<vmem>>
    %dma_wait3A_147 = arith.constant 0 : i32
    %dma_wait3A_148 = arith.constant 0 : i32
    %dma_wait3A_149 = tpu.memref_slice %arg2[%dma_wait3A_147, %dma_wait3A_148] : memref<10000x128xf32, #tpu.memory_space<hbm>> -> memref<10000x128xf32, #tpu.memory_space<hbm>>
    tpu.wait_indirect_dma semaphore(%arg19 : memref<!tpu.dma_semaphore, #tpu.memory_space<semaphore_mem>>) src(%dma_wait3A_149 : memref<10000x128xf32, #tpu.memory_space<hbm>>) dst(%arg8 : memref<40x128xf32, #tpu.memory_space<vmem>>)
    %dma_wait3A_150 = arith.constant 0 : i32
    %dma_wait3A_151 = tpu.memref_slice %arg7[%dma_wait3A_150] : memref<10000xi32, #tpu.memory_space<vmem>> -> memref<40xi32, #tpu.memory_space<vmem>>
    %dma_wait3A_152 = arith.constant 0 : i32
    %dma_wait3A_153 = arith.constant 0 : i32
    %dma_wait3A_154 = tpu.memref_slice %arg2[%dma_wait3A_152, %dma_wait3A_153] : memref<10000x128xf32, #tpu.memory_space<hbm>> -> memref<10000x128xf32, #tpu.memory_space<hbm>>
    tpu.wait_indirect_dma semaphore(%arg19 : memref<!tpu.dma_semaphore, #tpu.memory_space<semaphore_mem>>) src(%dma_wait3A_154 : memref<10000x128xf32, #tpu.memory_space<hbm>>) dst(%arg8 : memref<40x128xf32, #tpu.memory_space<vmem>>)
    %dma_wait3A_155 = arith.constant 0 : i32
    %dma_wait3A_156 = tpu.memref_slice %arg7[%dma_wait3A_155] : memref<10000xi32, #tpu.memory_space<vmem>> -> memref<40xi32, #tpu.memory_space<vmem>>
    %dma_wait3A_157 = arith.constant 0 : i32
    %dma_wait3A_158 = arith.constant 0 : i32
    %dma_wait3A_159 = tpu.memref_slice %arg2[%dma_wait3A_157, %dma_wait3A_158] : memref<10000x128xf32, #tpu.memory_space<hbm>> -> memref<10000x128xf32, #tpu.memory_space<hbm>>
    tpu.wait_indirect_dma semaphore(%arg19 : memref<!tpu.dma_semaphore, #tpu.memory_space<semaphore_mem>>) src(%dma_wait3A_159 : memref<10000x128xf32, #tpu.memory_space<hbm>>) dst(%arg8 : memref<40x128xf32, #tpu.memory_space<vmem>>)
    %dma_wait3A_160 = arith.constant 0 : i32
    %dma_wait3A_161 = tpu.memref_slice %arg7[%dma_wait3A_160] : memref<10000xi32, #tpu.memory_space<vmem>> -> memref<40xi32, #tpu.memory_space<vmem>>
    %dma_wait3A_162 = arith.constant 0 : i32
    %dma_wait3A_163 = arith.constant 0 : i32
    %dma_wait3A_164 = tpu.memref_slice %arg2[%dma_wait3A_162, %dma_wait3A_163] : memref<10000x128xf32, #tpu.memory_space<hbm>> -> memref<10000x128xf32, #tpu.memory_space<hbm>>
    tpu.wait_indirect_dma semaphore(%arg19 : memref<!tpu.dma_semaphore, #tpu.memory_space<semaphore_mem>>) src(%dma_wait3A_164 : memref<10000x128xf32, #tpu.memory_space<hbm>>) dst(%arg8 : memref<40x128xf32, #tpu.memory_space<vmem>>)
    %dma_wait3A_165 = arith.constant 0 : i32
    %dma_wait3A_166 = tpu.memref_slice %arg7[%dma_wait3A_165] : memref<10000xi32, #tpu.memory_space<vmem>> -> memref<40xi32, #tpu.memory_space<vmem>>
    %dma_wait3A_167 = arith.constant 0 : i32
    %dma_wait3A_168 = arith.constant 0 : i32
    %dma_wait3A_169 = tpu.memref_slice %arg2[%dma_wait3A_167, %dma_wait3A_168] : memref<10000x128xf32, #tpu.memory_space<hbm>> -> memref<10000x128xf32, #tpu.memory_space<hbm>>
    tpu.wait_indirect_dma semaphore(%arg19 : memref<!tpu.dma_semaphore, #tpu.memory_space<semaphore_mem>>) src(%dma_wait3A_169 : memref<10000x128xf32, #tpu.memory_space<hbm>>) dst(%arg8 : memref<40x128xf32, #tpu.memory_space<vmem>>)
    %dma_wait3A_170 = arith.constant 0 : i32
    %dma_wait3A_171 = tpu.memref_slice %arg7[%dma_wait3A_170] : memref<10000xi32, #tpu.memory_space<vmem>> -> memref<40xi32, #tpu.memory_space<vmem>>
    %dma_wait3A_172 = arith.constant 0 : i32
    %dma_wait3A_173 = arith.constant 0 : i32
    %dma_wait3A_174 = tpu.memref_slice %arg2[%dma_wait3A_172, %dma_wait3A_173] : memref<10000x128xf32, #tpu.memory_space<hbm>> -> memref<10000x128xf32, #tpu.memory_space<hbm>>
    tpu.wait_indirect_dma semaphore(%arg19 : memref<!tpu.dma_semaphore, #tpu.memory_space<semaphore_mem>>) src(%dma_wait3A_174 : memref<10000x128xf32, #tpu.memory_space<hbm>>) dst(%arg8 : memref<40x128xf32, #tpu.memory_space<vmem>>)
    %dma_wait3A_175 = arith.constant 0 : i32
    %dma_wait3A_176 = tpu.memref_slice %arg7[%dma_wait3A_175] : memref<10000xi32, #tpu.memory_space<vmem>> -> memref<40xi32, #tpu.memory_space<vmem>>
    %dma_wait3A_177 = arith.constant 0 : i32
    %dma_wait3A_178 = arith.constant 0 : i32
    %dma_wait3A_179 = tpu.memref_slice %arg2[%dma_wait3A_177, %dma_wait3A_178] : memref<10000x128xf32, #tpu.memory_space<hbm>> -> memref<10000x128xf32, #tpu.memory_space<hbm>>
    tpu.wait_indirect_dma semaphore(%arg19 : memref<!tpu.dma_semaphore, #tpu.memory_space<semaphore_mem>>) src(%dma_wait3A_179 : memref<10000x128xf32, #tpu.memory_space<hbm>>) dst(%arg8 : memref<40x128xf32, #tpu.memory_space<vmem>>)
    %dma_wait3A_180 = arith.constant 0 : i32
    %dma_wait3A_181 = tpu.memref_slice %arg7[%dma_wait3A_180] : memref<10000xi32, #tpu.memory_space<vmem>> -> memref<40xi32, #tpu.memory_space<vmem>>
    %dma_wait3A_182 = arith.constant 0 : i32
    %dma_wait3A_183 = arith.constant 0 : i32
    %dma_wait3A_184 = tpu.memref_slice %arg2[%dma_wait3A_182, %dma_wait3A_183] : memref<10000x128xf32, #tpu.memory_space<hbm>> -> memref<10000x128xf32, #tpu.memory_space<hbm>>
    tpu.wait_indirect_dma semaphore(%arg19 : memref<!tpu.dma_semaphore, #tpu.memory_space<semaphore_mem>>) src(%dma_wait3A_184 : memref<10000x128xf32, #tpu.memory_space<hbm>>) dst(%arg8 : memref<40x128xf32, #tpu.memory_space<vmem>>)
    %dma_wait3A_185 = arith.constant 0 : i32
    %dma_wait3A_186 = tpu.memref_slice %arg7[%dma_wait3A_185] : memref<10000xi32, #tpu.memory_space<vmem>> -> memref<40xi32, #tpu.memory_space<vmem>>
    %dma_wait3A_187 = arith.constant 0 : i32
    %dma_wait3A_188 = arith.constant 0 : i32
    %dma_wait3A_189 = tpu.memref_slice %arg2[%dma_wait3A_187, %dma_wait3A_188] : memref<10000x128xf32, #tpu.memory_space<hbm>> -> memref<10000x128xf32, #tpu.memory_space<hbm>>
    tpu.wait_indirect_dma semaphore(%arg19 : memref<!tpu.dma_semaphore, #tpu.memory_space<semaphore_mem>>) src(%dma_wait3A_189 : memref<10000x128xf32, #tpu.memory_space<hbm>>) dst(%arg8 : memref<40x128xf32, #tpu.memory_space<vmem>>)
    %dma_wait3A_190 = arith.constant 0 : i32
    %dma_wait3A_191 = tpu.memref_slice %arg7[%dma_wait3A_190] : memref<10000xi32, #tpu.memory_space<vmem>> -> memref<40xi32, #tpu.memory_space<vmem>>
    %dma_wait3A_192 = arith.constant 0 : i32
    %dma_wait3A_193 = arith.constant 0 : i32
    %dma_wait3A_194 = tpu.memref_slice %arg2[%dma_wait3A_192, %dma_wait3A_193] : memref<10000x128xf32, #tpu.memory_space<hbm>> -> memref<10000x128xf32, #tpu.memory_space<hbm>>
    tpu.wait_indirect_dma semaphore(%arg19 : memref<!tpu.dma_semaphore, #tpu.memory_space<semaphore_mem>>) src(%dma_wait3A_194 : memref<10000x128xf32, #tpu.memory_space<hbm>>) dst(%arg8 : memref<40x128xf32, #tpu.memory_space<vmem>>)
    %dma_wait3A_195 = arith.constant 0 : i32
    %dma_wait3A_196 = tpu.memref_slice %arg7[%dma_wait3A_195] : memref<10000xi32, #tpu.memory_space<vmem>> -> memref<40xi32, #tpu.memory_space<vmem>>
    %dma_wait3A_197 = arith.constant 0 : i32
    %dma_wait3A_198 = arith.constant 0 : i32
    %dma_wait3A_199 = tpu.memref_slice %arg2[%dma_wait3A_197, %dma_wait3A_198] : memref<10000x128xf32, #tpu.memory_space<hbm>> -> memref<10000x128xf32, #tpu.memory_space<hbm>>
    tpu.wait_indirect_dma semaphore(%arg19 : memref<!tpu.dma_semaphore, #tpu.memory_space<semaphore_mem>>) src(%dma_wait3A_199 : memref<10000x128xf32, #tpu.memory_space<hbm>>) dst(%arg8 : memref<40x128xf32, #tpu.memory_space<vmem>>)
    %dma_wait3A_200 = arith.constant 0 : i32
    %dma_wait3A_201 = tpu.memref_slice %arg7[%dma_wait3A_200] : memref<10000xi32, #tpu.memory_space<vmem>> -> memref<40xi32, #tpu.memory_space<vmem>>
    %dma_wait3A_202 = arith.constant 0 : i32
    %dma_wait3A_203 = arith.constant 0 : i32
    %dma_wait3A_204 = tpu.memref_slice %arg2[%dma_wait3A_202, %dma_wait3A_203] : memref<10000x128xf32, #tpu.memory_space<hbm>> -> memref<10000x128xf32, #tpu.memory_space<hbm>>
    tpu.wait_indirect_dma semaphore(%arg19 : memref<!tpu.dma_semaphore, #tpu.memory_space<semaphore_mem>>) src(%dma_wait3A_204 : memref<10000x128xf32, #tpu.memory_space<hbm>>) dst(%arg8 : memref<40x128xf32, #tpu.memory_space<vmem>>)
    %dma_wait3A_205 = arith.constant 0 : i32
    %dma_wait3A_206 = tpu.memref_slice %arg7[%dma_wait3A_205] : memref<10000xi32, #tpu.memory_space<vmem>> -> memref<40xi32, #tpu.memory_space<vmem>>
    %dma_wait3A_207 = arith.constant 0 : i32
    %dma_wait3A_208 = arith.constant 0 : i32
    %dma_wait3A_209 = tpu.memref_slice %arg2[%dma_wait3A_207, %dma_wait3A_208] : memref<10000x128xf32, #tpu.memory_space<hbm>> -> memref<10000x128xf32, #tpu.memory_space<hbm>>
    tpu.wait_indirect_dma semaphore(%arg19 : memref<!tpu.dma_semaphore, #tpu.memory_space<semaphore_mem>>) src(%dma_wait3A_209 : memref<10000x128xf32, #tpu.memory_space<hbm>>) dst(%arg8 : memref<40x128xf32, #tpu.memory_space<vmem>>)
    %dma_wait3A_210 = arith.constant 0 : i32
    %dma_wait3A_211 = tpu.memref_slice %arg7[%dma_wait3A_210] : memref<10000xi32, #tpu.memory_space<vmem>> -> memref<40xi32, #tpu.memory_space<vmem>>
    %dma_wait3A_212 = arith.constant 0 : i32
    %dma_wait3A_213 = arith.constant 0 : i32
    %dma_wait3A_214 = tpu.memref_slice %arg2[%dma_wait3A_212, %dma_wait3A_213] : memref<10000x128xf32, #tpu.memory_space<hbm>> -> memref<10000x128xf32, #tpu.memory_space<hbm>>
    tpu.wait_indirect_dma semaphore(%arg19 : memref<!tpu.dma_semaphore, #tpu.memory_space<semaphore_mem>>) src(%dma_wait3A_214 : memref<10000x128xf32, #tpu.memory_space<hbm>>) dst(%arg8 : memref<40x128xf32, #tpu.memory_space<vmem>>)
    %dma_start3A_215 = arith.constant 0 : i32
    %dma_start3A_216 = tpu.memref_slice %arg7[%dma_start3A_215] : memref<10000xi32, #tpu.memory_space<vmem>> -> memref<40xi32, #tpu.memory_space<vmem>>
    %dma_start3A_217 = arith.constant 0 : i32
    %dma_start3A_218 = arith.constant 0 : i32
    %dma_start3A_219 = tpu.memref_slice %arg2[%dma_start3A_217, %dma_start3A_218] : memref<10000x128xf32, #tpu.memory_space<hbm>> -> memref<10000x128xf32, #tpu.memory_space<hbm>>
    tpu.enqueue_indirect_dma source(%dma_start3A_219 : memref<10000x128xf32, #tpu.memory_space<hbm>>) target(%arg8 : memref<40x128xf32, #tpu.memory_space<vmem>>) offsets(%dma_start3A_216 : memref<40xi32, #tpu.memory_space<vmem>>) semaphore(%arg14 : memref<!tpu.dma_semaphore, #tpu.memory_space<semaphore_mem>>)
    %dma_start3A_220 = arith.constant 40 : i32
    %dma_start3A_221 = tpu.memref_slice %arg7[%dma_start3A_220] : memref<10000xi32, #tpu.memory_space<vmem>> -> memref<40xi32, #tpu.memory_space<vmem>>
    %dma_start3A_222 = arith.constant 0 : i32
    %dma_start3A_223 = arith.constant 0 : i32
    %dma_start3A_224 = tpu.memref_slice %arg2[%dma_start3A_222, %dma_start3A_223] : memref<10000x128xf32, #tpu.memory_space<hbm>> -> memref<10000x128xf32, #tpu.memory_space<hbm>>
    tpu.enqueue_indirect_dma source(%dma_start3A_224 : memref<10000x128xf32, #tpu.memory_space<hbm>>) target(%arg9 : memref<40x128xf32, #tpu.memory_space<vmem>>) offsets(%dma_start3A_221 : memref<40xi32, #tpu.memory_space<vmem>>) semaphore(%arg15 : memref<!tpu.dma_semaphore, #tpu.memory_space<semaphore_mem>>)
    %dma_start3A_225 = arith.constant 80 : i32
    %dma_start3A_226 = tpu.memref_slice %arg7[%dma_start3A_225] : memref<10000xi32, #tpu.memory_space<vmem>> -> memref<40xi32, #tpu.memory_space<vmem>>
    %dma_start3A_227 = arith.constant 0 : i32
    %dma_start3A_228 = arith.constant 0 : i32
    %dma_start3A_229 = tpu.memref_slice %arg2[%dma_start3A_227, %dma_start3A_228] : memref<10000x128xf32, #tpu.memory_space<hbm>> -> memref<10000x128xf32, #tpu.memory_space<hbm>>
    tpu.enqueue_indirect_dma source(%dma_start3A_229 : memref<10000x128xf32, #tpu.memory_space<hbm>>) target(%arg10 : memref<40x128xf32, #tpu.memory_space<vmem>>) offsets(%dma_start3A_226 : memref<40xi32, #tpu.memory_space<vmem>>) semaphore(%arg16 : memref<!tpu.dma_semaphore, #tpu.memory_space<semaphore_mem>>)
    %dma_start3A_230 = arith.constant 120 : i32
    %dma_start3A_231 = tpu.memref_slice %arg7[%dma_start3A_230] : memref<10000xi32, #tpu.memory_space<vmem>> -> memref<40xi32, #tpu.memory_space<vmem>>
    %dma_start3A_232 = arith.constant 0 : i32
    %dma_start3A_233 = arith.constant 0 : i32
    %dma_start3A_234 = tpu.memref_slice %arg2[%dma_start3A_232, %dma_start3A_233] : memref<10000x128xf32, #tpu.memory_space<hbm>> -> memref<10000x128xf32, #tpu.memory_space<hbm>>
    tpu.enqueue_indirect_dma source(%dma_start3A_234 : memref<10000x128xf32, #tpu.memory_space<hbm>>) target(%arg11 : memref<40x128xf32, #tpu.memory_space<vmem>>) offsets(%dma_start3A_231 : memref<40xi32, #tpu.memory_space<vmem>>) semaphore(%arg17 : memref<!tpu.dma_semaphore, #tpu.memory_space<semaphore_mem>>)
    %dma_start3A_235 = arith.constant 160 : i32
    %dma_start3A_236 = tpu.memref_slice %arg7[%dma_start3A_235] : memref<10000xi32, #tpu.memory_space<vmem>> -> memref<40xi32, #tpu.memory_space<vmem>>
    %dma_start3A_237 = arith.constant 0 : i32
    %dma_start3A_238 = arith.constant 0 : i32
    %dma_start3A_239 = tpu.memref_slice %arg2[%dma_start3A_237, %dma_start3A_238] : memref<10000x128xf32, #tpu.memory_space<hbm>> -> memref<10000x128xf32, #tpu.memory_space<hbm>>
    tpu.enqueue_indirect_dma source(%dma_start3A_239 : memref<10000x128xf32, #tpu.memory_space<hbm>>) target(%arg12 : memref<40x128xf32, #tpu.memory_space<vmem>>) offsets(%dma_start3A_236 : memref<40xi32, #tpu.memory_space<vmem>>) semaphore(%arg18 : memref<!tpu.dma_semaphore, #tpu.memory_space<semaphore_mem>>)
    %barrier3A = arith.constant 0 : index
    tpu.barrier barrier_id(%barrier3A)
    %scan3A_240 = arith.constant 0 : i32
    %scan3A_241 = arith.constant 50 : i32
    %scan3A_242 = arith.addi %scan3A_240, %scan3A_241 : i32
    %scan3A_243 = arith.constant 1 : i32
    scf.for %scan3A_250 = %scan3A_240 to %scan3A_242 step %scan3A_243  : i32 {
      %mul3A_251 = arith.constant 1 : i32
      %mul3A_252 = arith.muli %scan3A_250, %mul3A_251 : i32
      %add3A_253 = arith.constant 0 : i32
      %add3A_254 = arith.addi %add3A_253, %mul3A_252 : i32
      %mul3A_255 = arith.constant 5 : i32
      %mul3A_256 = arith.muli %add3A_254, %mul3A_255 : i32
      %dma_wait3A_257 = arith.constant 0 : i32
      %dma_wait3A_258 = tpu.memref_slice %arg7[%dma_wait3A_257] : memref<10000xi32, #tpu.memory_space<vmem>> -> memref<40xi32, #tpu.memory_space<vmem>>
      %dma_wait3A_259 = arith.constant 0 : i32
      %dma_wait3A_260 = arith.constant 0 : i32
      %dma_wait3A_261 = tpu.memref_slice %arg2[%dma_wait3A_259, %dma_wait3A_260] : memref<10000x128xf32, #tpu.memory_space<hbm>> -> memref<10000x128xf32, #tpu.memory_space<hbm>>
      tpu.wait_indirect_dma semaphore(%arg14 : memref<!tpu.dma_semaphore, #tpu.memory_space<semaphore_mem>>) src(%dma_wait3A_261 : memref<10000x128xf32, #tpu.memory_space<hbm>>) dst(%arg8 : memref<40x128xf32, #tpu.memory_space<vmem>>)
      %add3A_262 = arith.constant 0 : i32
      %add3A_263 = arith.addi %mul3A_256, %add3A_262 : i32
      %mul3A_264 = arith.constant 40 : i32
      %mul3A_265 = arith.muli %add3A_263, %mul3A_264 : i32
      %dma_start3A_266 = tpu.memref_slice %arg6[%mul3A_265] : memref<10000xi32, #tpu.memory_space<vmem>> -> memref<40xi32, #tpu.memory_space<vmem>>
      %dma_start3A_267 = arith.constant 0 : i32
      %dma_start3A_268 = arith.constant 0 : i32
      %dma_start3A_269 = tpu.memref_slice %arg13[%dma_start3A_267, %dma_start3A_268] : memref<10240x128xf32, #tpu.memory_space<vmem_shared>> -> memref<10240x128xf32, #tpu.memory_space<vmem_shared>>
      tpu.enqueue_indirect_dma source(%arg8 : memref<40x128xf32, #tpu.memory_space<vmem>>) target(%dma_start3A_269 : memref<10240x128xf32, #tpu.memory_space<vmem_shared>>) offsets(%dma_start3A_266 : memref<40xi32, #tpu.memory_space<vmem>>) semaphore(%arg19 : memref<!tpu.dma_semaphore, #tpu.memory_space<semaphore_mem>>) {add = true}
      %dma_wait3A_270 = arith.constant 0 : i32
      %dma_wait3A_271 = tpu.memref_slice %arg7[%dma_wait3A_270] : memref<10000xi32, #tpu.memory_space<vmem>> -> memref<40xi32, #tpu.memory_space<vmem>>
      %dma_wait3A_272 = arith.constant 0 : i32
      %dma_wait3A_273 = arith.constant 0 : i32
      %dma_wait3A_274 = tpu.memref_slice %arg2[%dma_wait3A_272, %dma_wait3A_273] : memref<10000x128xf32, #tpu.memory_space<hbm>> -> memref<10000x128xf32, #tpu.memory_space<hbm>>
      tpu.wait_indirect_dma semaphore(%arg15 : memref<!tpu.dma_semaphore, #tpu.memory_space<semaphore_mem>>) src(%dma_wait3A_274 : memref<10000x128xf32, #tpu.memory_space<hbm>>) dst(%arg9 : memref<40x128xf32, #tpu.memory_space<vmem>>)
      %add3A_275 = arith.constant 1 : i32
      %add3A_276 = arith.addi %mul3A_256, %add3A_275 : i32
      %mul3A_277 = arith.constant 40 : i32
      %mul3A_278 = arith.muli %add3A_276, %mul3A_277 : i32
      %dma_start3A_279 = tpu.memref_slice %arg6[%mul3A_278] : memref<10000xi32, #tpu.memory_space<vmem>> -> memref<40xi32, #tpu.memory_space<vmem>>
      %dma_start3A_280 = arith.constant 0 : i32
      %dma_start3A_281 = arith.constant 0 : i32
      %dma_start3A_282 = tpu.memref_slice %arg13[%dma_start3A_280, %dma_start3A_281] : memref<10240x128xf32, #tpu.memory_space<vmem_shared>> -> memref<10240x128xf32, #tpu.memory_space<vmem_shared>>
      tpu.enqueue_indirect_dma source(%arg9 : memref<40x128xf32, #tpu.memory_space<vmem>>) target(%dma_start3A_282 : memref<10240x128xf32, #tpu.memory_space<vmem_shared>>) offsets(%dma_start3A_279 : memref<40xi32, #tpu.memory_space<vmem>>) semaphore(%arg20 : memref<!tpu.dma_semaphore, #tpu.memory_space<semaphore_mem>>) {add = true}
      %dma_wait3A_283 = arith.constant 0 : i32
      %dma_wait3A_284 = tpu.memref_slice %arg7[%dma_wait3A_283] : memref<10000xi32, #tpu.memory_space<vmem>> -> memref<40xi32, #tpu.memory_space<vmem>>
      %dma_wait3A_285 = arith.constant 0 : i32
      %dma_wait3A_286 = arith.constant 0 : i32
      %dma_wait3A_287 = tpu.memref_slice %arg2[%dma_wait3A_285, %dma_wait3A_286] : memref<10000x128xf32, #tpu.memory_space<hbm>> -> memref<10000x128xf32, #tpu.memory_space<hbm>>
      tpu.wait_indirect_dma semaphore(%arg16 : memref<!tpu.dma_semaphore, #tpu.memory_space<semaphore_mem>>) src(%dma_wait3A_287 : memref<10000x128xf32, #tpu.memory_space<hbm>>) dst(%arg10 : memref<40x128xf32, #tpu.memory_space<vmem>>)
      %add3A_288 = arith.constant 2 : i32
      %add3A_289 = arith.addi %mul3A_256, %add3A_288 : i32
      %mul3A_290 = arith.constant 40 : i32
      %mul3A_291 = arith.muli %add3A_289, %mul3A_290 : i32
      %dma_start3A_292 = tpu.memref_slice %arg6[%mul3A_291] : memref<10000xi32, #tpu.memory_space<vmem>> -> memref<40xi32, #tpu.memory_space<vmem>>
      %dma_start3A_293 = arith.constant 0 : i32
      %dma_start3A_294 = arith.constant 0 : i32
      %dma_start3A_295 = tpu.memref_slice %arg13[%dma_start3A_293, %dma_start3A_294] : memref<10240x128xf32, #tpu.memory_space<vmem_shared>> -> memref<10240x128xf32, #tpu.memory_space<vmem_shared>>
      tpu.enqueue_indirect_dma source(%arg10 : memref<40x128xf32, #tpu.memory_space<vmem>>) target(%dma_start3A_295 : memref<10240x128xf32, #tpu.memory_space<vmem_shared>>) offsets(%dma_start3A_292 : memref<40xi32, #tpu.memory_space<vmem>>) semaphore(%arg21 : memref<!tpu.dma_semaphore, #tpu.memory_space<semaphore_mem>>) {add = true}
      %dma_wait3A_296 = arith.constant 0 : i32
      %dma_wait3A_297 = tpu.memref_slice %arg7[%dma_wait3A_296] : memref<10000xi32, #tpu.memory_space<vmem>> -> memref<40xi32, #tpu.memory_space<vmem>>
      %dma_wait3A_298 = arith.constant 0 : i32
      %dma_wait3A_299 = arith.constant 0 : i32
      %dma_wait3A_300 = tpu.memref_slice %arg2[%dma_wait3A_298, %dma_wait3A_299] : memref<10000x128xf32, #tpu.memory_space<hbm>> -> memref<10000x128xf32, #tpu.memory_space<hbm>>
      tpu.wait_indirect_dma semaphore(%arg17 : memref<!tpu.dma_semaphore, #tpu.memory_space<semaphore_mem>>) src(%dma_wait3A_300 : memref<10000x128xf32, #tpu.memory_space<hbm>>) dst(%arg11 : memref<40x128xf32, #tpu.memory_space<vmem>>)
      %add3A_301 = arith.constant 3 : i32
      %add3A_302 = arith.addi %mul3A_256, %add3A_301 : i32
      %mul3A_303 = arith.constant 40 : i32
      %mul3A_304 = arith.muli %add3A_302, %mul3A_303 : i32
      %dma_start3A_305 = tpu.memref_slice %arg6[%mul3A_304] : memref<10000xi32, #tpu.memory_space<vmem>> -> memref<40xi32, #tpu.memory_space<vmem>>
      %dma_start3A_306 = arith.constant 0 : i32
      %dma_start3A_307 = arith.constant 0 : i32
      %dma_start3A_308 = tpu.memref_slice %arg13[%dma_start3A_306, %dma_start3A_307] : memref<10240x128xf32, #tpu.memory_space<vmem_shared>> -> memref<10240x128xf32, #tpu.memory_space<vmem_shared>>
      tpu.enqueue_indirect_dma source(%arg11 : memref<40x128xf32, #tpu.memory_space<vmem>>) target(%dma_start3A_308 : memref<10240x128xf32, #tpu.memory_space<vmem_shared>>) offsets(%dma_start3A_305 : memref<40xi32, #tpu.memory_space<vmem>>) semaphore(%arg22 : memref<!tpu.dma_semaphore, #tpu.memory_space<semaphore_mem>>) {add = true}
      %dma_wait3A_309 = arith.constant 0 : i32
      %dma_wait3A_310 = tpu.memref_slice %arg7[%dma_wait3A_309] : memref<10000xi32, #tpu.memory_space<vmem>> -> memref<40xi32, #tpu.memory_space<vmem>>
      %dma_wait3A_311 = arith.constant 0 : i32
      %dma_wait3A_312 = arith.constant 0 : i32
      %dma_wait3A_313 = tpu.memref_slice %arg2[%dma_wait3A_311, %dma_wait3A_312] : memref<10000x128xf32, #tpu.memory_space<hbm>> -> memref<10000x128xf32, #tpu.memory_space<hbm>>
      tpu.wait_indirect_dma semaphore(%arg18 : memref<!tpu.dma_semaphore, #tpu.memory_space<semaphore_mem>>) src(%dma_wait3A_313 : memref<10000x128xf32, #tpu.memory_space<hbm>>) dst(%arg12 : memref<40x128xf32, #tpu.memory_space<vmem>>)
      %add3A_314 = arith.constant 4 : i32
      %add3A_315 = arith.addi %mul3A_256, %add3A_314 : i32
      %mul3A_316 = arith.constant 40 : i32
      %mul3A_317 = arith.muli %add3A_315, %mul3A_316 : i32
      %dma_start3A_318 = tpu.memref_slice %arg6[%mul3A_317] : memref<10000xi32, #tpu.memory_space<vmem>> -> memref<40xi32, #tpu.memory_space<vmem>>
      %dma_start3A_319 = arith.constant 0 : i32
      %dma_start3A_320 = arith.constant 0 : i32
      %dma_start3A_321 = tpu.memref_slice %arg13[%dma_start3A_319, %dma_start3A_320] : memref<10240x128xf32, #tpu.memory_space<vmem_shared>> -> memref<10240x128xf32, #tpu.memory_space<vmem_shared>>
      tpu.enqueue_indirect_dma source(%arg12 : memref<40x128xf32, #tpu.memory_space<vmem>>) target(%dma_start3A_321 : memref<10240x128xf32, #tpu.memory_space<vmem_shared>>) offsets(%dma_start3A_318 : memref<40xi32, #tpu.memory_space<vmem>>) semaphore(%arg23 : memref<!tpu.dma_semaphore, #tpu.memory_space<semaphore_mem>>) {add = true}
      %dma_wait3A_322 = arith.constant 0 : i32
      %dma_wait3A_323 = tpu.memref_slice %arg7[%dma_wait3A_322] : memref<10000xi32, #tpu.memory_space<vmem>> -> memref<40xi32, #tpu.memory_space<vmem>>
      %dma_wait3A_324 = arith.constant 0 : i32
      %dma_wait3A_325 = arith.constant 0 : i32
      %dma_wait3A_326 = tpu.memref_slice %arg2[%dma_wait3A_324, %dma_wait3A_325] : memref<10000x128xf32, #tpu.memory_space<hbm>> -> memref<10000x128xf32, #tpu.memory_space<hbm>>
      tpu.wait_indirect_dma semaphore(%arg19 : memref<!tpu.dma_semaphore, #tpu.memory_space<semaphore_mem>>) src(%dma_wait3A_326 : memref<10000x128xf32, #tpu.memory_space<hbm>>) dst(%arg8 : memref<40x128xf32, #tpu.memory_space<vmem>>)
      %add3A_327 = arith.constant 5 : i32
      %add3A_328 = arith.addi %mul3A_256, %add3A_327 : i32
      %add3A_329 = arith.constant 0 : i32
      %add3A_330 = arith.addi %add3A_328, %add3A_329 : i32
      %lt3A = arith.constant 250 : i32
      %lt3A_331 = arith.cmpi slt, %add3A_330, %lt3A : i32
      %convert_element_type3A = arith.extui %lt3A_331 : i1 to i32
      %cond3A = arith.constant 0 : i32
      %cond3A_332 = arith.cmpi ne, %convert_element_type3A, %cond3A : i32
      scf.if %cond3A_332 {
        %mul3A_389 = arith.constant 40 : i32
        %mul3A_390 = arith.muli %add3A_330, %mul3A_389 : i32
        %dma_start3A_391 = tpu.memref_slice %arg7[%mul3A_390] : memref<10000xi32, #tpu.memory_space<vmem>> -> memref<40xi32, #tpu.memory_space<vmem>>
        %dma_start3A_392 = arith.constant 0 : i32
        %dma_start3A_393 = arith.constant 0 : i32
        %dma_start3A_394 = tpu.memref_slice %arg2[%dma_start3A_392, %dma_start3A_393] : memref<10000x128xf32, #tpu.memory_space<hbm>> -> memref<10000x128xf32, #tpu.memory_space<hbm>>
        tpu.enqueue_indirect_dma source(%dma_start3A_394 : memref<10000x128xf32, #tpu.memory_space<hbm>>) target(%arg8 : memref<40x128xf32, #tpu.memory_space<vmem>>) offsets(%dma_start3A_391 : memref<40xi32, #tpu.memory_space<vmem>>) semaphore(%arg14 : memref<!tpu.dma_semaphore, #tpu.memory_space<semaphore_mem>>)
      } else {
      }
      %dma_wait3A_333 = arith.constant 0 : i32
      %dma_wait3A_334 = tpu.memref_slice %arg7[%dma_wait3A_333] : memref<10000xi32, #tpu.memory_space<vmem>> -> memref<40xi32, #tpu.memory_space<vmem>>
      %dma_wait3A_335 = arith.constant 0 : i32
      %dma_wait3A_336 = arith.constant 0 : i32
      %dma_wait3A_337 = tpu.memref_slice %arg2[%dma_wait3A_335, %dma_wait3A_336] : memref<10000x128xf32, #tpu.memory_space<hbm>> -> memref<10000x128xf32, #tpu.memory_space<hbm>>
      tpu.wait_indirect_dma semaphore(%arg20 : memref<!tpu.dma_semaphore, #tpu.memory_space<semaphore_mem>>) src(%dma_wait3A_337 : memref<10000x128xf32, #tpu.memory_space<hbm>>) dst(%arg9 : memref<40x128xf32, #tpu.memory_space<vmem>>)
      %add3A_338 = arith.constant 5 : i32
      %add3A_339 = arith.addi %mul3A_256, %add3A_338 : i32
      %add3A_340 = arith.constant 1 : i32
      %add3A_341 = arith.addi %add3A_339, %add3A_340 : i32
      %lt3A_342 = arith.constant 250 : i32
      %lt3A_343 = arith.cmpi slt, %add3A_341, %lt3A_342 : i32
      %convert_element_type3A_344 = arith.extui %lt3A_343 : i1 to i32
      %cond3A_345 = arith.constant 0 : i32
      %cond3A_346 = arith.cmpi ne, %convert_element_type3A_344, %cond3A_345 : i32
      scf.if %cond3A_346 {
        %mul3A_389 = arith.constant 40 : i32
        %mul3A_390 = arith.muli %add3A_341, %mul3A_389 : i32
        %dma_start3A_391 = tpu.memref_slice %arg7[%mul3A_390] : memref<10000xi32, #tpu.memory_space<vmem>> -> memref<40xi32, #tpu.memory_space<vmem>>
        %dma_start3A_392 = arith.constant 0 : i32
        %dma_start3A_393 = arith.constant 0 : i32
        %dma_start3A_394 = tpu.memref_slice %arg2[%dma_start3A_392, %dma_start3A_393] : memref<10000x128xf32, #tpu.memory_space<hbm>> -> memref<10000x128xf32, #tpu.memory_space<hbm>>
        tpu.enqueue_indirect_dma source(%dma_start3A_394 : memref<10000x128xf32, #tpu.memory_space<hbm>>) target(%arg9 : memref<40x128xf32, #tpu.memory_space<vmem>>) offsets(%dma_start3A_391 : memref<40xi32, #tpu.memory_space<vmem>>) semaphore(%arg15 : memref<!tpu.dma_semaphore, #tpu.memory_space<semaphore_mem>>)
      } else {
      }
      %dma_wait3A_347 = arith.constant 0 : i32
      %dma_wait3A_348 = tpu.memref_slice %arg7[%dma_wait3A_347] : memref<10000xi32, #tpu.memory_space<vmem>> -> memref<40xi32, #tpu.memory_space<vmem>>
      %dma_wait3A_349 = arith.constant 0 : i32
      %dma_wait3A_350 = arith.constant 0 : i32
      %dma_wait3A_351 = tpu.memref_slice %arg2[%dma_wait3A_349, %dma_wait3A_350] : memref<10000x128xf32, #tpu.memory_space<hbm>> -> memref<10000x128xf32, #tpu.memory_space<hbm>>
      tpu.wait_indirect_dma semaphore(%arg21 : memref<!tpu.dma_semaphore, #tpu.memory_space<semaphore_mem>>) src(%dma_wait3A_351 : memref<10000x128xf32, #tpu.memory_space<hbm>>) dst(%arg10 : memref<40x128xf32, #tpu.memory_space<vmem>>)
      %add3A_352 = arith.constant 5 : i32
      %add3A_353 = arith.addi %mul3A_256, %add3A_352 : i32
      %add3A_354 = arith.constant 2 : i32
      %add3A_355 = arith.addi %add3A_353, %add3A_354 : i32
      %lt3A_356 = arith.constant 250 : i32
      %lt3A_357 = arith.cmpi slt, %add3A_355, %lt3A_356 : i32
      %convert_element_type3A_358 = arith.extui %lt3A_357 : i1 to i32
      %cond3A_359 = arith.constant 0 : i32
      %cond3A_360 = arith.cmpi ne, %convert_element_type3A_358, %cond3A_359 : i32
      scf.if %cond3A_360 {
        %mul3A_389 = arith.constant 40 : i32
        %mul3A_390 = arith.muli %add3A_355, %mul3A_389 : i32
        %dma_start3A_391 = tpu.memref_slice %arg7[%mul3A_390] : memref<10000xi32, #tpu.memory_space<vmem>> -> memref<40xi32, #tpu.memory_space<vmem>>
        %dma_start3A_392 = arith.constant 0 : i32
        %dma_start3A_393 = arith.constant 0 : i32
        %dma_start3A_394 = tpu.memref_slice %arg2[%dma_start3A_392, %dma_start3A_393] : memref<10000x128xf32, #tpu.memory_space<hbm>> -> memref<10000x128xf32, #tpu.memory_space<hbm>>
        tpu.enqueue_indirect_dma source(%dma_start3A_394 : memref<10000x128xf32, #tpu.memory_space<hbm>>) target(%arg10 : memref<40x128xf32, #tpu.memory_space<vmem>>) offsets(%dma_start3A_391 : memref<40xi32, #tpu.memory_space<vmem>>) semaphore(%arg16 : memref<!tpu.dma_semaphore, #tpu.memory_space<semaphore_mem>>)
      } else {
      }
      %dma_wait3A_361 = arith.constant 0 : i32
      %dma_wait3A_362 = tpu.memref_slice %arg7[%dma_wait3A_361] : memref<10000xi32, #tpu.memory_space<vmem>> -> memref<40xi32, #tpu.memory_space<vmem>>
      %dma_wait3A_363 = arith.constant 0 : i32
      %dma_wait3A_364 = arith.constant 0 : i32
      %dma_wait3A_365 = tpu.memref_slice %arg2[%dma_wait3A_363, %dma_wait3A_364] : memref<10000x128xf32, #tpu.memory_space<hbm>> -> memref<10000x128xf32, #tpu.memory_space<hbm>>
      tpu.wait_indirect_dma semaphore(%arg22 : memref<!tpu.dma_semaphore, #tpu.memory_space<semaphore_mem>>) src(%dma_wait3A_365 : memref<10000x128xf32, #tpu.memory_space<hbm>>) dst(%arg11 : memref<40x128xf32, #tpu.memory_space<vmem>>)
      %add3A_366 = arith.constant 5 : i32
      %add3A_367 = arith.addi %mul3A_256, %add3A_366 : i32
      %add3A_368 = arith.constant 3 : i32
      %add3A_369 = arith.addi %add3A_367, %add3A_368 : i32
      %lt3A_370 = arith.constant 250 : i32
      %lt3A_371 = arith.cmpi slt, %add3A_369, %lt3A_370 : i32
      %convert_element_type3A_372 = arith.extui %lt3A_371 : i1 to i32
      %cond3A_373 = arith.constant 0 : i32
      %cond3A_374 = arith.cmpi ne, %convert_element_type3A_372, %cond3A_373 : i32
      scf.if %cond3A_374 {
        %mul3A_389 = arith.constant 40 : i32
        %mul3A_390 = arith.muli %add3A_369, %mul3A_389 : i32
        %dma_start3A_391 = tpu.memref_slice %arg7[%mul3A_390] : memref<10000xi32, #tpu.memory_space<vmem>> -> memref<40xi32, #tpu.memory_space<vmem>>
        %dma_start3A_392 = arith.constant 0 : i32
        %dma_start3A_393 = arith.constant 0 : i32
        %dma_start3A_394 = tpu.memref_slice %arg2[%dma_start3A_392, %dma_start3A_393] : memref<10000x128xf32, #tpu.memory_space<hbm>> -> memref<10000x128xf32, #tpu.memory_space<hbm>>
        tpu.enqueue_indirect_dma source(%dma_start3A_394 : memref<10000x128xf32, #tpu.memory_space<hbm>>) target(%arg11 : memref<40x128xf32, #tpu.memory_space<vmem>>) offsets(%dma_start3A_391 : memref<40xi32, #tpu.memory_space<vmem>>) semaphore(%arg17 : memref<!tpu.dma_semaphore, #tpu.memory_space<semaphore_mem>>)
      } else {
      }
      %dma_wait3A_375 = arith.constant 0 : i32
      %dma_wait3A_376 = tpu.memref_slice %arg7[%dma_wait3A_375] : memref<10000xi32, #tpu.memory_space<vmem>> -> memref<40xi32, #tpu.memory_space<vmem>>
      %dma_wait3A_377 = arith.constant 0 : i32
      %dma_wait3A_378 = arith.constant 0 : i32
      %dma_wait3A_379 = tpu.memref_slice %arg2[%dma_wait3A_377, %dma_wait3A_378] : memref<10000x128xf32, #tpu.memory_space<hbm>> -> memref<10000x128xf32, #tpu.memory_space<hbm>>
      tpu.wait_indirect_dma semaphore(%arg23 : memref<!tpu.dma_semaphore, #tpu.memory_space<semaphore_mem>>) src(%dma_wait3A_379 : memref<10000x128xf32, #tpu.memory_space<hbm>>) dst(%arg12 : memref<40x128xf32, #tpu.memory_space<vmem>>)
      %add3A_380 = arith.constant 5 : i32
      %add3A_381 = arith.addi %mul3A_256, %add3A_380 : i32
      %add3A_382 = arith.constant 4 : i32
      %add3A_383 = arith.addi %add3A_381, %add3A_382 : i32
      %lt3A_384 = arith.constant 250 : i32
      %lt3A_385 = arith.cmpi slt, %add3A_383, %lt3A_384 : i32
      %convert_element_type3A_386 = arith.extui %lt3A_385 : i1 to i32
      %cond3A_387 = arith.constant 0 : i32
      %cond3A_388 = arith.cmpi ne, %convert_element_type3A_386, %cond3A_387 : i32
      scf.if %cond3A_388 {
        %mul3A_389 = arith.constant 40 : i32
        %mul3A_390 = arith.muli %add3A_383, %mul3A_389 : i32
        %dma_start3A_391 = tpu.memref_slice %arg7[%mul3A_390] : memref<10000xi32, #tpu.memory_space<vmem>> -> memref<40xi32, #tpu.memory_space<vmem>>
        %dma_start3A_392 = arith.constant 0 : i32
        %dma_start3A_393 = arith.constant 0 : i32
        %dma_start3A_394 = tpu.memref_slice %arg2[%dma_start3A_392, %dma_start3A_393] : memref<10000x128xf32, #tpu.memory_space<hbm>> -> memref<10000x128xf32, #tpu.memory_space<hbm>>
        tpu.enqueue_indirect_dma source(%dma_start3A_394 : memref<10000x128xf32, #tpu.memory_space<hbm>>) target(%arg12 : memref<40x128xf32, #tpu.memory_space<vmem>>) offsets(%dma_start3A_391 : memref<40xi32, #tpu.memory_space<vmem>>) semaphore(%arg18 : memref<!tpu.dma_semaphore, #tpu.memory_space<semaphore_mem>>)
      } else {
      }
    }
    %scan3A_244 = arith.constant 50 : i32
    %barrier3A_245 = arith.constant 0 : index
    tpu.barrier barrier_id(%barrier3A_245)
    %mul3A_246 = arith.constant 640 : i32
    %mul3A_247 = arith.muli %arg1, %mul3A_246 : i32
    %mul3A_248 = arith.constant 640 : i32
    %mul3A_249 = arith.muli %arg1, %mul3A_248 : i32
    "tpu.region"() ({
      %run_scoped3A = tpu.sem_alloc : memref<!tpu.dma_semaphore, #tpu.memory_space<semaphore_mem>>
      %dma_start3A_250 = arith.constant 0 : i32
      %dma_start3A_251 = tpu.memref_slice %arg5[%arg0, %mul3A_249, %dma_start3A_250] : memref<2x10240x128xf32, #tpu.memory_space<hbm>> -> memref<1x640x128xf32, #tpu.memory_space<hbm>>
      %dma_start3A_252 = tpu.memref_squeeze %dma_start3A_251 : memref<1x640x128xf32, #tpu.memory_space<hbm>> -> memref<640x128xf32, #tpu.memory_space<hbm>>
      %dma_start3A_253 = arith.constant 0 : i32
      %dma_start3A_254 = tpu.memref_slice %arg13[%mul3A_247, %dma_start3A_253] : memref<10240x128xf32, #tpu.memory_space<vmem_shared>> -> memref<640x128xf32, #tpu.memory_space<vmem_shared>>
      tpu.enqueue_dma source(%dma_start3A_254 : memref<640x128xf32, #tpu.memory_space<vmem_shared>>) target(%dma_start3A_252 : memref<640x128xf32, #tpu.memory_space<hbm>>) target_semaphore(%run_scoped3A : memref<!tpu.dma_semaphore, #tpu.memory_space<semaphore_mem>>)
      %dma_wait3A_255 = arith.constant 0 : i32
      %dma_wait3A_256 = tpu.memref_slice %arg5[%arg0, %mul3A_249, %dma_wait3A_255] : memref<2x10240x128xf32, #tpu.memory_space<hbm>> -> memref<1x640x128xf32, #tpu.memory_space<hbm>>
      %dma_wait3A_257 = tpu.memref_squeeze %dma_wait3A_256 : memref<1x640x128xf32, #tpu.memory_space<hbm>> -> memref<640x128xf32, #tpu.memory_space<hbm>>
      %dma_wait3A_258 = arith.constant 0 : i32
      %dma_wait3A_259 = tpu.memref_slice %arg13[%mul3A_247, %dma_wait3A_258] : memref<10240x128xf32, #tpu.memory_space<vmem_shared>> -> memref<640x128xf32, #tpu.memory_space<vmem_shared>>
      tpu.wait_dma2 semaphore(%run_scoped3A : memref<!tpu.dma_semaphore, #tpu.memory_space<semaphore_mem>>) src(%dma_wait3A_259 : memref<640x128xf32, #tpu.memory_space<vmem_shared>>) dst(%dma_wait3A_257 : memref<640x128xf32, #tpu.memory_space<hbm>>)
      tpu.yield
    }) : () -> ()
    return
  }
}

module attributes {stable_mosaic.version = 14 : i64} {
  func.func @body(%arg0: i32, %arg1: memref<2x1024x128xf32, #tpu.memory_space<vmem>>, %arg2: memref<2x8x128xf32, #tpu.memory_space<vmem>>, %arg3: memref<1x128xf32, #tpu.memory_space<vmem>>, %arg4: memref<1024x128xf32, #tpu.memory_space<vmem>>) attributes {dimension_semantics = [#tpu.dimension_semantics<arbitrary>], iteration_bounds = array<i64: 10>, scalar_prefetch = 0 : i64, scratch_operands = 0 : i64, tpu.core_type = #tpu.core_type<tc>, window_params = [{transform_indices = @transform_0, window_bounds = array<i64: 2, 1024, 128>}, {transform_indices = @transform_1, window_bounds = array<i64: 2, 8, 128>}, {pipeline_mode = #tpu.pipeline_mode<synchronous>, transform_indices = @transform_2, window_bounds = array<i64: 1, 128>}, {transform_indices = @transform_3, window_bounds = array<i64: 1024, 128>}]} {
    %get3A = arith.constant 0 : index
    %get3A_0 = arith.constant 0 : index
    %get3A_1 = arith.constant 0 : index
    %get3A_2 = vector.load %arg1[%get3A, %get3A_0, %get3A_1] : memref<2x1024x128xf32, #tpu.memory_space<vmem>>, vector<1x1024x128xf32>
    %get3A_3 = vector.shape_cast %get3A_2 : vector<1x1024x128xf32> to vector<1024x128xf32>
    %get3A_4 = arith.constant 1 : index
    %get3A_5 = arith.constant 0 : index
    %get3A_6 = arith.constant 0 : index
    %get3A_7 = vector.load %arg1[%get3A_4, %get3A_5, %get3A_6] : memref<2x1024x128xf32, #tpu.memory_space<vmem>>, vector<1x1024x128xf32>
    %get3A_8 = vector.shape_cast %get3A_7 : vector<1x1024x128xf32> to vector<1024x128xf32>
    %add3A = arith.addf %get3A_3, %get3A_8 : vector<1024x128xf32>
    %get3A_9 = arith.constant 0 : index
    %get3A_10 = arith.constant 0 : index
    %get3A_11 = arith.constant 0 : index
    %get3A_12 = vector.load %arg2[%get3A_9, %get3A_10, %get3A_11] : memref<2x8x128xf32, #tpu.memory_space<vmem>>, vector<2x8x128xf32>
    %slice3A = vector.extract_strided_slice %get3A_12 {offsets = [0, 0, 0], sizes = [1, 8, 128], strides = [1, 1, 1]} : vector<2x8x128xf32> to vector<1x8x128xf32>
    %squeeze3A = vector.shape_cast %slice3A : vector<1x8x128xf32> to vector<8x128xf32>
    %slice3A_13 = vector.extract_strided_slice %get3A_12 {offsets = [1, 0, 0], sizes = [1, 8, 128], strides = [1, 1, 1]} : vector<2x8x128xf32> to vector<1x8x128xf32>
    %squeeze3A_14 = vector.shape_cast %slice3A_13 : vector<1x8x128xf32> to vector<8x128xf32>
    %add3A_15 = arith.addf %squeeze3A, %squeeze3A_14 : vector<8x128xf32>
    %gt3A = arith.constant 0.000000e+00 : f32
    %gt3A_16 = vector.broadcast %gt3A : f32 to vector<8x128xf32>
    %gt3A_17 = arith.cmpf ogt, %add3A_15, %gt3A_16 : vector<8x128xf32>
    %rsqrt3A = math.rsqrt %add3A_15 : vector<8x128xf32>
    %jit3A = arith.constant 0.000000e+00 : f32
    %broadcast_in_dim3A = vector.broadcast %jit3A : f32 to vector<8x128xf32>
    %select_n3A = arith.select %gt3A_17, %rsqrt3A, %broadcast_in_dim3A : vector<8x128xi1>, vector<8x128xf32>
    %reshape3A = vector.shape_cast %add3A : vector<1024x128xf32> to vector<8x128x128xf32>
    %broadcast_in_dim3A_18 = vector.shape_cast %select_n3A : vector<8x128xf32> to vector<8x128x1xf32>
    %mul3A = vector.broadcast %broadcast_in_dim3A_18 : vector<8x128x1xf32> to vector<8x128x128xf32>
    %mul3A_19 = arith.mulf %reshape3A, %mul3A : vector<8x128x128xf32>
    %reshape3A_20 = vector.shape_cast %mul3A_19 : vector<8x128x128xf32> to vector<1024x128xf32>
    %get3A_21 = arith.constant 0 : index
    %get3A_22 = arith.constant 0 : index
    %get3A_23 = vector.load %arg3[%get3A_21, %get3A_22] : memref<1x128xf32, #tpu.memory_space<vmem>>, vector<1x128xf32>
    %add3A_24 = vector.broadcast %get3A_23 : vector<1x128xf32> to vector<1024x128xf32>
    %add3A_25 = arith.addf %reshape3A_20, %add3A_24 : vector<1024x128xf32>
    %swap3A = arith.constant 0 : index
    %swap3A_26 = arith.constant 0 : index
    %swap3A_27 = vector.load %arg4[%swap3A, %swap3A_26] : memref<1024x128xf32, #tpu.memory_space<vmem>>, vector<1024x128xf32>
    tpu.vector_store %arg4[%swap3A, %swap3A_26], %add3A_25 {strides = array<i32>} : memref<1024x128xf32, #tpu.memory_space<vmem>>, vector<1024x128xf32>,
    return
  }
  func.func @transform_0(%arg0: i32) -> (i32, i32, i32) {
    %c0_i32 = arith.constant 0 : i32
    %c0_i32_0 = arith.constant 0 : i32
    %c0_i32_1 = arith.constant 0 : i32
    return %c0_i32, %arg0, %c0_i32_0 : i32, i32, i32
  }
  func.func @transform_1(%arg0: i32) -> (i32, i32, i32) {
    %c0_i32 = arith.constant 0 : i32
    %c0_i32_0 = arith.constant 0 : i32
    %c0_i32_1 = arith.constant 0 : i32
    return %c0_i32, %arg0, %c0_i32_0 : i32, i32, i32
  }
  func.func @transform_2(%arg0: i32) -> (i32, i32) {
    %c0_i32 = arith.constant 0 : i32
    %c0_i32_0 = arith.constant 0 : i32
    %c0_i32_1 = arith.constant 0 : i32
    return %c0_i32, %c0_i32_0 : i32, i32
  }
  func.func @transform_3(%arg0: i32) -> (i32, i32) {
    %c0_i32 = arith.constant 0 : i32
    %c0_i32_0 = arith.constant 0 : i32
    return %arg0, %c0_i32 : i32, i32
  }
}

module attributes {stable_mosaic.version = 14 : i64} {
  func.func @body(%arg0: i32, %arg1: memref<1024x128xf32, #tpu.memory_space<vmem>>, %arg2: memref<128x128xf32, #tpu.memory_space<vmem>>, %arg3: memref<2x8x128xf32, #tpu.memory_space<vmem>>, %arg4: memref<1024x128xf32, #tpu.memory_space<vmem>>) attributes {dimension_semantics = [#tpu.dimension_semantics<arbitrary>], iteration_bounds = array<i64: 10>, scalar_prefetch = 0 : i64, scratch_operands = 0 : i64, tpu.core_type = #tpu.core_type<tc>, window_params = [{transform_indices = @transform_0, window_bounds = array<i64: 1024, 128>}, {pipeline_mode = #tpu.pipeline_mode<synchronous>, transform_indices = @transform_1, window_bounds = array<i64: 128, 128>}, {transform_indices = @transform_2, window_bounds = array<i64: 2, 8, 128>}, {transform_indices = @transform_3, window_bounds = array<i64: 1024, 128>}]} {
    %get3A = arith.constant 0 : index
    %get3A_0 = arith.constant 0 : index
    %get3A_1 = vector.load %arg1[%get3A, %get3A_0] : memref<1024x128xf32, #tpu.memory_space<vmem>>, vector<1024x128xf32>
    %get3A_2 = arith.constant 0 : index
    %get3A_3 = arith.constant 0 : index
    %get3A_4 = vector.load %arg2[%get3A_2, %get3A_3] : memref<128x128xf32, #tpu.memory_space<vmem>>, vector<128x128xf32>
    %dot_general3A = arith.constant dense<0.000000e+00> : vector<1024x128xf32>
    %dot_general3A_5 = tpu.matmul %get3A_1, %get3A_4, %dot_general3A {dimension_numbers = #tpu.dot_dimension_numbers<[1], [1], [0], [0], [0, 0, 1, 0], [], []>, transpose_lhs_hint = false} : vector<1024x128xf32>, vector<128x128xf32>, vector<1024x128xf32> -> vector<1024x128xf32>
    %get3A_6 = arith.constant 0 : index
    %get3A_7 = arith.constant 0 : index
    %get3A_8 = arith.constant 0 : index
    %get3A_9 = vector.load %arg3[%get3A_6, %get3A_7, %get3A_8] : memref<2x8x128xf32, #tpu.memory_space<vmem>>, vector<2x8x128xf32>
    %slice3A = vector.extract_strided_slice %get3A_9 {offsets = [0, 0, 0], sizes = [1, 8, 128], strides = [1, 1, 1]} : vector<2x8x128xf32> to vector<1x8x128xf32>
    %squeeze3A = vector.shape_cast %slice3A : vector<1x8x128xf32> to vector<8x128xf32>
    %slice3A_10 = vector.extract_strided_slice %get3A_9 {offsets = [1, 0, 0], sizes = [1, 8, 128], strides = [1, 1, 1]} : vector<2x8x128xf32> to vector<1x8x128xf32>
    %squeeze3A_11 = vector.shape_cast %slice3A_10 : vector<1x8x128xf32> to vector<8x128xf32>
    %add3A = arith.addf %squeeze3A, %squeeze3A_11 : vector<8x128xf32>
    %gt3A = arith.constant 0.000000e+00 : f32
    %gt3A_12 = vector.broadcast %gt3A : f32 to vector<8x128xf32>
    %gt3A_13 = arith.cmpf ogt, %add3A, %gt3A_12 : vector<8x128xf32>
    %rsqrt3A = math.rsqrt %add3A : vector<8x128xf32>
    %jit3A = arith.constant 0.000000e+00 : f32
    %broadcast_in_dim3A = vector.broadcast %jit3A : f32 to vector<8x128xf32>
    %select_n3A = arith.select %gt3A_13, %rsqrt3A, %broadcast_in_dim3A : vector<8x128xi1>, vector<8x128xf32>
    %reshape3A = vector.shape_cast %dot_general3A_5 : vector<1024x128xf32> to vector<8x128x128xf32>
    %broadcast_in_dim3A_14 = vector.shape_cast %select_n3A : vector<8x128xf32> to vector<8x128x1xf32>
    %mul3A = vector.broadcast %broadcast_in_dim3A_14 : vector<8x128x1xf32> to vector<8x128x128xf32>
    %mul3A_15 = arith.mulf %reshape3A, %mul3A : vector<8x128x128xf32>
    %reshape3A_16 = vector.shape_cast %mul3A_15 : vector<8x128x128xf32> to vector<1024x128xf32>
    %swap3A = arith.constant 0 : index
    %swap3A_17 = arith.constant 0 : index
    %swap3A_18 = vector.load %arg4[%swap3A, %swap3A_17] : memref<1024x128xf32, #tpu.memory_space<vmem>>, vector<1024x128xf32>
    tpu.vector_store %arg4[%swap3A, %swap3A_17], %reshape3A_16 {strides = array<i32>} : memref<1024x128xf32, #tpu.memory_space<vmem>>, vector<1024x128xf32>,
    return
  }
  func.func @transform_0(%arg0: i32) -> (i32, i32) {
    %c0_i32 = arith.constant 0 : i32
    %c0_i32_0 = arith.constant 0 : i32
    return %arg0, %c0_i32 : i32, i32
  }
  func.func @transform_1(%arg0: i32) -> (i32, i32) {
    %c0_i32 = arith.constant 0 : i32
    %c0_i32_0 = arith.constant 0 : i32
    %c0_i32_1 = arith.constant 0 : i32
    return %c0_i32, %c0_i32_0 : i32, i32
  }
  func.func @transform_2(%arg0: i32) -> (i32, i32, i32) {
    %c0_i32 = arith.constant 0 : i32
    %c0_i32_0 = arith.constant 0 : i32
    %c0_i32_1 = arith.constant 0 : i32
    return %c0_i32, %arg0, %c0_i32_0 : i32, i32, i32
  }
  func.func @transform_3(%arg0: i32) -> (i32, i32) {
    %c0_i32 = arith.constant 0 : i32
    %c0_i32_0 = arith.constant 0 : i32
    return %arg0, %c0_i32 : i32, i32
  }
}

</mosaic_0001>

<sc_bundles>
// kernel: kernel.6.cloned.1.call-start
scs
__scs_entry_jumppad:
0x0: {  	(pc) =	sbr.rel $0x88, $3  }
0x1: {  	(tag) =	ssettag $0x0;
	lr =	simm.s32 $0x1  }
0x2: {  	[smem:$0x3F9D] =	sst lr;
	_ =	strace $0xD0000000  }
0x3: {  	_ = 	snop  }
0x4: {  	_ = 	snop  }
0x5: {  	_ = 	snop  }
0x6: {  	_ = 	snop  }
0x7: {  	_ = 	snop  }
__scs_overlays_trampoline_lowered:
0x8: {  	[smem:$0x3FAC] =	sst s0  }
0x9: {  	[smem:$0x3FAD] =	sst s1  }
0xa: {  	[smem:$0x3FAE] =	sst s2  }
0xb: {  	[smem:$0x3FAF] =	sst s3  }
0xc: {  	[smem:$0x3FB0] =	sst s4  }
0xd: {  	[smem:$0x3FB1] =	sst s5  }
0xe: {  	[smem:$0x3FB2] =	sst s6  }
0xf: {  	[smem:$0x3FB3] =	sst s7  }
0x10: {  	[smem:$0x3FB4] =	sst s8  }
0x11: {  	[smem:$0x3FB5] =	sst s9;
	s0 =	simm.s32 @!p0 $0x0  }
0x12: {  	s1 =	sld [smem:$0x3F9B];
	s0 =	simm.s32 @p0 $0x1  }
0x13: {  	[smem:$0x3FB6] =	sst s0;
	s0 =	simm.s32 @!p1 $0x0  }
0x14: {  	s2 =	sld [smem:$0x3F9A];
	s0 =	simm.s32 @p1 $0x1  }
0x15: {  	[smem:$0x3FB7] =	sst s0;
	s0 =	simm.s32 @!p2 $0x0  }
0x16: {  	s3 =	sld [smem:$0x3FDB];
	s0 =	simm.s32 @p2 $0x1  }
0x17: {  	s4 =	simm.s32 $0x1BF5;
	[smem:$0x3FB9] =	sst s0  }
0x18: {  	s0 =	sld [smem:$0x3F9C];
	_ =	swait.ge [sflag:s4], $0x0  }
0x19: {  	s7 =	sld [smem:$0x3F9D]  }
0x1a: {  	s8 =	sadd.s32 $0xFFFFE003, lr  }
0x1b: {  	s9 =	sadd.s32 $0xFFFFFEF7, lr;
	s5 =	simm.s32 $0xFFFFFFFF;
	p2 =	slt.u32 s8, $0xFFFFF086  }
0x1c: {  	p1 =	slt.u32 s9, $0xF7A;
	s5 =	simm.s32 @!p2 $0x0  }
0x1d: {  	s5 =	simm.s32 @p1 $0x1;
	p0 =	seq.s32 s7, s2  }
0x1e: {  	s7 =	smul.u32 @!p0 $0xF7A, s2;
	p2 =	seq.s32 @!p0 s5, $0x0  }
0x1f: {  	s9 =	smul.u32 $0xF7A, s1;
	s8 =	simm.s32 @!p0 $0x1BF5;
	p2 =	por !p2, p0  }
0x20: {  	[sflag:s8] =	ssyncset.s32 @!p0 $0xFFFFF086;
	s6 =	sadd.s32 @!p0 s3, s7;
	s7 =	simm.s32 @!p0 $0x108  }
0x21: {  	s3 =	sadd.s32 s3, s9;
	s6 =	sadd.s32 @!p0 $0x88, s6;
	s7 =	simm.s32 @p2 $0x1082  }
0x22: {  	[simem:s7], [sflag:s8] =	dma.local @!p0 [hbm:s6], $0xF7A  }
0x23: {  	s9 =	sor.u32 $0xD0000000, s2;
	s6 =	simm.s32 $0x108;
	_ =	swait.ge @!p0 [sflag:s8], $0x0  }
0x24: {  	s3 =	sadd.s32 $0x88, s3;
	s6 =	simm.s32 @!p1 $0x1082;
	[sflag:s4] =	ssyncset.s32 $0xFFFFF086  }
0x25: {  	[simem:s6], [sflag:s4] =	dma.local [hbm:s3], $0xF7A  }
0x26: {  	[smem:$0x3F9D] =	sst s1;
	(tag) =	ssettag s2;
	_ =	strace s9  }
0x27: {  	s1 =	sld [smem:$0x3FAD]  }
0x28: {  	s2 =	sld [smem:$0x3FAE]  }
0x29: {  	s4 =	sld [smem:$0x3FB0]  }
0x2a: {  	p0 =	seq.s32 s5, $0x0;
	s5 =	sld [smem:$0x3FB1]  }
0x2b: {  	s6 =	sld [smem:$0x3FB2]  }
0x2c: {  	s7 =	sld [smem:$0x3FB3]  }
0x2d: {  	s3 =	simm.s32 $0x108;
	s8 =	sld [smem:$0x3FB4]  }
0x2e: {  	s3 =	simm.s32 @!p0 $0x1082;
	s9 =	sld [smem:$0x3FB5]  }
0x2f: {  	lr =	sadd.s32 s0, s3;
	s0 =	sld [smem:$0x3FAC]  }
0x30: {  	s3 =	sld [smem:$0x3FAF]  }
0x31: {  	[smem:$0x3FB8] =	sst s10  }
0x32: {  	s10 =	sld [smem:$0x3FB6];
	_ =	sdelay $0x3  }
0x33: {  	p0 =	seq.s32 s10, $0x1;
	s10 =	sld [smem:$0x3FB8];
	_ =	sdelay $0x3  }
0x34: {  	[smem:$0x3FB8] =	sst s10  }
0x35: {  	s10 =	sld [smem:$0x3FB7];
	_ =	sdelay $0x3  }
0x36: {  	p1 =	seq.s32 s10, $0x1;
	s10 =	sld [smem:$0x3FB8];
	_ =	sdelay $0x3  }
0x37: {  	[smem:$0x3FB8] =	sst s10  }
0x38: {  	s10 =	sld [smem:$0x3FB9]  }
0x39: {  	_ = 	snop;
	(pc) =	sbr.ind lr, $3  }
0x3a: {  	_ = 	snop  }
0x3b: {  	_ = 	snop  }
0x3c: {  	p2 =	seq.s32 s10, $0x1;
	s10 =	sld [smem:$0x3FB8]  }
0x3d: {  	_ =	shalt  }
0x3e: {  	_ =	shalt  }
0x3f: {  	_ =	shalt  }
0x40: {  	_ =	shalt  }
0x41: {  	_ =	shalt  }
0x42: {  	_ =	shalt  }
0x43: {  	_ =	shalt  }
0x44: {  	_ =	shalt  }
0x45: {  	_ =	shalt  }
0x46: {  	_ =	shalt  }
0x47: {  	_ =	shalt  }
0x48: {  	_ =	shalt  }
0x49: {  	_ =	shalt  }
0x4a: {  	_ =	shalt  }
0x4b: {  	_ =	shalt  }
0x4c: {  	_ =	shalt  }
0x4d: {  	_ =	shalt  }
0x4e: {  	_ =	shalt  }
0x4f: {  	_ =	shalt  }
0x50: {  	_ =	shalt  }
0x51: {  	_ =	shalt  }
0x52: {  	_ =	shalt  }
0x53: {  	_ =	shalt  }
0x54: {  	_ =	shalt  }
0x55: {  	_ =	shalt  }
0x56: {  	_ =	shalt  }
0x57: {  	_ =	shalt  }
0x58: {  	_ =	shalt  }
0x59: {  	_ =	shalt  }
0x5a: {  	_ =	shalt  }
0x5b: {  	_ =	shalt  }
0x5c: {  	_ =	shalt  }
0x5d: {  	_ =	shalt  }
0x5e: {  	_ =	shalt  }
0x5f: {  	_ =	shalt  }
0x60: {  	_ =	shalt  }
0x61: {  	_ =	shalt  }
0x62: {  	_ =	shalt  }
0x63: {  	_ =	shalt  }
0x64: {  	_ =	shalt  }
0x65: {  	_ =	shalt  }
0x66: {  	_ =	shalt  }
0x67: {  	_ =	shalt  }
0x68: {  	_ =	shalt  }
0x69: {  	_ =	shalt  }
0x6a: {  	_ =	shalt  }
0x6b: {  	_ =	shalt  }
0x6c: {  	_ =	shalt  }
0x6d: {  	_ =	shalt  }
0x6e: {  	_ =	shalt  }
0x6f: {  	_ =	shalt  }
0x70: {  	_ =	shalt  }
0x71: {  	_ =	shalt  }
0x72: {  	_ =	shalt  }
0x73: {  	_ =	shalt  }
0x74: {  	_ =	shalt  }
0x75: {  	_ =	shalt  }
0x76: {  	_ =	shalt  }
0x77: {  	_ =	shalt  }
0x78: {  	_ =	shalt  }
0x79: {  	_ =	shalt  }
0x7a: {  	_ =	shalt  }
0x7b: {  	_ =	shalt  }
0x7c: {  	_ =	shalt  }
0x7d: {  	_ =	shalt  }
0x7e: {  	_ =	shalt  }
0x7f: {  	_ =	shalt  }
0x80: {  	_ =	shalt  }
0x81: {  	_ =	shalt  }
0x82: {  	_ =	shalt  }
0x83: {  	_ =	shalt  }
0x84: {  	_ =	shalt  }
0x85: {  	_ =	shalt  }
0x86: {  	_ =	shalt  }
0x87: {  	_ =	shalt  }
.Lfunc_end0:
.L_simem_size_0:
called_computation_lowered:
.L_overlay_start_0:
0x88: {  	s2 =	sld [smem:$0x3FD9]  }
0x89: {  	s3 =	sld [smem:$0x3FFE];
	_ =	sdelay $0x1  }
0x8a: {  	s1 =	srdreg.scid  }
0x8b: {  	s0 =	sand.u32 $0x1, s1  }
0x8c: {  	s17 =	sshll.u32 s0, $0xA;
	s2 =	sadd.s32 s3, s2  }
0x8d: {  	s2 =	sadd.s32 s2, s17  }
0x8e: {  	[smem:$0x3FC4] =	sst s2  }
0x8f: {  	_ = 	snop  }
0x90: {  	s2 =	sld [smem:$0x3FD0];
	(tm) =	ssettm $0x1  }
0x91: {  	s18 =	sld [smem:$0x3FFB];
	_ =	sdelay $0x3  }
0x92: {  	_ =	strace s18  }
0x93: {  	s3 =	sld [smem:$0x3FFC];
	_ =	sdelay $0x3  }
0x94: {  	_ =	strace s3  }
0x95: {  	s3 =	sld [smem:$0x3FFD];
	_ =	sdelay $0x3  }
0x96: {  	_ =	strace s3  }
0x97: {  	_ =	strace $0x8FFFFFFF  }
0x98: {  	s19 =	sld [smem:$0x3FDB];
	_ =	sdelay $0x1  }
0x99: {  	s4 =	simm.s32 $_scs_section_size  }
0x9a: {  	s5 =	simm.s32 $_size__tile_overlayer_lowered;
	s6 =	simm.s32 $_tile_overlayer_lowered  }
0x9b: {  	s22 =	simm.s32 $0x1BFF;
	s21 =	sshll.u32 s6, $0x1;
	s3 =	sadd.s32 s4, s19  }
0x9c: {  	s7 =	simm.s32 $0x0;
	s20 =	sshll.u32 s5, $0x1;
	s5 =	sadd.s32 s21, s3  }
0x9d: {  	[timem:s7], [sflag:s22] =	dma.local [hbm:s5], s20  }
0x9e: {  	_ =	swait.ge [sflag:s22], s20  }
0x9f: {  	s4 =	ssub.s32 $0x0, s20;
	[sflag:s22] =	ssyncset.done $0x0  }
0xa0: {  	[sflag:s22] =	ssyncadd.s32 s4;
	_ =	sdelay $0x1  }
0xa1: {  	s23 =	simm.s32 $0x1B8B  }
0xa2: {  	_ =	swait.ge [sflag:s23], $0x1  }
0xa3: {  	[sflag:s23] =	ssyncset.done $0x0  }
0xa4: {  	s25 =	simm.s32 $0x1B8E;
	s24 =	sld [smem:$0x3FFE];
	[sflag:s23] =	ssyncadd.s32 $0xFFFFFFFF  }
0xa5: {  	s26 =	simm.s32 $execute0_lowered;
	[smem:$0x3FD2] =	sst s25  }
0xa6: {  	s5 =	sshll.u32 s26, $0x1;
	_ =	strace $0x80000046;
	[dreg:$0x1] =	wrdreg $0xFFFFFFFF  }
0xa7: {  	s28 =	simm.s32 $_size_execute0_lowered;
	s3 =	sadd.s32 s3, s5;
	[dreg:$0x0] =	wrdreg $0x0  }
0xa8: {  	s5 =	sshll.u32 s28, $0x1;
	[dreg:$0x2] =	wrdreg s3  }
0xa9: {  	[dreg:$0x3] =	wrdreg s5  }
0xaa: {  	[dreg:$0x4] =	wrdreg $0xC0  }
0xab: {  	_ =	task [dreg:s7], $0x5FFFF  }
0xac: {  	[dreg:$0x1] =	wrdreg $0xFFFFFFFF  }
0xad: {  	[dreg:$0x0] =	wrdreg $0x60  }
0xae: {  	[dreg:$0x2] =	wrdreg s2  }
0xaf: {  	[dreg:$0x3] =	wrdreg s24  }
0xb0: {  	[dreg:$0x4] =	wrdreg $0x54800  }
0xb1: {  	[dreg:$0x5] =	wrdreg $0x9  }
0xb2: {  	_ =	task.clear_ibuf [dreg:s7], $0x6FFFF;
	_ =	strace $0x90000046  }
0xb3: {  	s29 =	simm.s32 $0x9;
	_ =	strace $0x80000048  }
0xb4: {  	_ =	swait.ge [sflag:s29], $0x1  }
0xb5: {  	[sflag:s29] =	ssyncadd.s32 $0xFFFFFFFF  }
0xb6: {  	_ =	strace $0x90000048  }
0xb7: {  	_ =	sfence  }
0xb8: {  	s30 =	sld [smem:$0x0];
	_ =	sdelay $0x2  }
0xb9: {  	s31 =	sshll.u32 s1, $0xD;
	s1 =	sshrl.u32 s1, $0x2  }
0xba: {  	s3 =	sand.u32 $0x4000, s31;
	s1 =	sadd.s32 s1, s30  }
0xbb: {  	s0 =	sor.u32 s3, s0;
	s1 =	sshll.u32 s1, $0x11  }
0xbc: {  	s0 =	sor.u32 s1, s0  }
0xbd: {  	s0 =	sadd.s32 $0x8F2B, s0  }
0xbe: {  	[sflag:s0] =	ssyncadd.remote.s32 $0x1  }
0xbf: {  	_ =	sfence.sel $0xFFFF  }
0xc0: {  	[dreg:$0x0] =	wrdreg $0xFFFFFFFF;
	(pc) =	sbr.abs _section_cstart, $3  }
0xc1: {  	[dreg:$0x1] =	wrdreg $0xFFFFFFFF  }
0xc2: {  	_ =	task.clear_ibuf [dreg:s7], $0x2FFFF;
	_ =	strace $0x9FFFFFFF  }
0xc3: {  	(tm) =	ssettm $0x7FFFFFFF  }
tec
execute0_lowered:
.L_overlay_start_1:
0x0: {  	(tag) =	ssettag $0x1  }
0x1: {  	s1 =	rddreg [dreg:$0x0]  }
0x2: {  	s3 =	rddreg [dreg:$0x1]  }
0x3: {  	s2 =	srdreg.scid;
	s0 =	stileid.u32  }
0x4: {  	s5 =	rddreg [dreg:$0x2];
	s23 =	simm.s32 $0x3;
	s24 =	simm.s32 $0x2780  }
0x5: {  	s25 =	simm.s32 $0x4F80;
	s28 =	simm.s32 $0x1;
	s29 =	simm.s32 $0x2  }
0x6: {  	s30 =	simm.s32 $0x0;
	s4 =	sand.u32 $0x1, s2;
	s6 =	smul.u32 $0x280, s0  }
0x7: {  	s2 =	simm.s32 $0x0;
	s8 =	sshll.u32 s0, $0x1;
	s7 =	smul.u32 $0x2800, s4  }
0x8: {  	s26 =	smul.u32 $0xA000, s0;
	[smem:$0x7FF] =	sst s2;
	s9 =	ssub.s32 $0x2, s4  }
0x9: {  	s4 =	sor.u32 s4, s8;
	_ =	strace $0x80000047;
	s7 =	sadd.s32 s6, s7  }
0xa: {  	s10 =	sshrl.u32 s9, $0x1;
	s4 =	smul.u32 $0x4F0, s4;
	s7 =	sshrl.u32 s7, $0x3  }
0xb: {  	s31 =	sshrl.u32 s26, $0x2;
	s22 =	ssub.s32 s9, s10;
	s21 =	sadd.s32 s7, s3  }
0xc: {  	s3 =	sadd.s32 s1, s4;
	s4 =	sadd.s32 s31, s5;
	s5 =	sadd.s32 s6, s5  }
0xd: {  	s26 =	simm.s32 $0x5200;
	s22 =	smax.u32 s22, $0x1;
	s6 =	sadd.s32 $0x2800, s5  }
0xe: {  	s7 =	sadd.s32 $0x5000, s5;
	s8 =	sadd.s32 $0x7800, s5;
	s9 =	sadd.s32 $0xA000, s5  }
0xf: {  	s10 =	sadd.s32 $0xC800, s5;
	s11 =	sadd.s32 $0xF000, s5;
	s12 =	sadd.s32 $0x11800, s5  }
0x10: {  	s13 =	sadd.s32 $0x14000, s5;
	s14 =	sadd.s32 $0x16800, s5;
	s15 =	sadd.s32 $0x19000, s5  }
0x11: {  	s16 =	sadd.s32 $0x1B800, s5;
	s17 =	sadd.s32 $0x1E000, s5;
	s18 =	sadd.s32 $0x20800, s5  }
0x12: {  	v0 =	vimm.f32 $0.0e+00;
	v1 =	vimm.f32 $1.000000000e+00;
	s19 =	sadd.s32 $0x23000, s5;
	s20 =	sadd.s32 $0x25800, s5;
	s21 =	sadd.s32 $0x14A00, s21  }
.LBB2_1:
0x13: {  	[tilespmem:s2], [sflag:$0x3] =	stream.linear.gather [hbm4b:s3+s2], $0x2780, $0x38;
	[tilespmem:$0x7C80] =	vst v63  }
0x14: {  	_ =	swait.ge [sflag:s23], $0x2780  }
0x15: {  	[sflag:s23] =	ssyncset.done $0x0  }
0x16: {  	s1 =	simm.s32 $0x0;
	[sflag:s23] =	ssyncadd.s32 $0xFFFFD880  }
.LBB2_2:
0x17: {  	p0 =	sne.s32 s1, $0x9FC0  }
.Ltmp0:
0x18: {  	_ = 	snop;
	(pc) =	sbr.rel @p0 .LBB2_2-.Ltmp0, $3  }
0x19: {  	_ =	sdelay $0x1  }
0x1a: {  	s31 =	sshra.s32 s1, $0x2  }
0x1b: {  	s1 =	sadd.s32 $0x40, s1;
	[tilespmem:s31+$0x2780] =	vst v0  }
0x1c: {  	s31 =	simm.s32 $0x0;
	s1 =	simm.s32 $0x40  }
.LBB2_4:
0x1d: {  	p0 =	sne.s32 s1, $0x9C00;
	v2 =	vld [tilespmem:s31+$0x0];
	_ =	sdelay $0x3  }
.Ltmp1:
0x1e: {  	(pc) =	sbr.rel @p0 .LBB2_4-.Ltmp1, $2  }
0x1f: {  	_ =	sdelay $0x2  }
0x20: {  	s31 =	sshra.s32 s1, $0x2;
	s1 =	sadd.s32 $0x40, s1;
	[tilespmem:v2+s24+$0x0] =	vst.idx.add.f32.msk $0xffff, v1  }
0x21: {  	v2 =	vld [tilespmem:s31+$0x0];
	_ =	sdelay $0x7  }
0x22: {  	[tilespmem:v2+s24+$0x0] =	vst.idx.add.f32.msk $0xffff, v1  }
0x23: {  	[spmem:s4] =	stream.linear.scatter [tilespmem:s24], [sflag:$0x3], $0x2800, $0x38;
	[tilespmem:$0x7C80] =	vst v63  }
0x24: {  	_ =	swait.ge [sflag:s23], $0x2800  }
0x25: {  	[sflag:s23] =	ssyncset.done $0x0  }
0x26: {  	[sflag:s23] =	ssyncadd.s32 $0xFFFFD800  }
0x27: {  	[bflag:$0x0] =	sbarrier.arrive $0xFFFF  }
0x28: {  	[tilespmem:s25], [sflag:$0x1] =	stream.linear.gather [spmem:s5], $0x280, $0x38;
	[tilespmem:$0x7C80] =	vst v63  }
0x29: {  	_ = 	snop  }
0x2a: {  	[tilespmem:s26], [sflag:$0x2] =	stream.linear.gather [spmem:s6], $0x280, $0x38;
	[tilespmem:$0x7C80] =	vst v63  }
0x2b: {  	_ =	swait.ge [sflag:s28], $0x280  }
0x2c: {  	[sflag:s28] =	ssyncset.done $0x0  }
0x2d: {  	s1 =	simm.s32 $0x0;
	[sflag:s28] =	ssyncadd.s32 $0xFFFFFD80  }
0x2e: {  	s31 =	simm.s32 $0x40;
	v2 =	vld [tilespmem:s1+$0x4F80]  }
.LBB2_6:
0x2f: {  	p0 =	sne.s32 s31, $0x9C0  }
.Ltmp2:
0x30: {  	_ = 	snop;
	(pc) =	sbr.rel @p0 .LBB2_6-.Ltmp2, $3  }
0x31: {  	_ =	sdelay $0x1  }
0x32: {  	[tilespmem:s1+$0x2780] =	vst v2;
	s1 =	sshra.s32 s31, $0x2;
	s31 =	sadd.s32 $0x40, s31  }
0x33: {  	v2 =	vld [tilespmem:s1+$0x4F80]  }
0x34: {  	_ =	sdelay $0x3  }
0x35: {  	[tilespmem:s1+$0x2780] =	vst v2  }
0x36: {  	[tilespmem:s25], [sflag:$0x1] =	stream.linear.gather [spmem:s7], $0x280, $0x38;
	[tilespmem:$0x7C80] =	vst v63  }
0x37: {  	_ =	swait.ge [sflag:s29], $0x280  }
0x38: {  	[sflag:s29] =	ssyncset.done $0x0  }
0x39: {  	s31 =	simm.s32 $0x0;
	[sflag:s29] =	ssyncadd.s32 $0xFFFFFD80  }
0x3a: {  	s1 =	simm.s32 $0x40;
	v2 =	vld [tilespmem:s31+$0x5200]  }
.LBB2_8:
0x3b: {  	p0 =	sne.s32 s1, $0x9C0;
	v3 =	vld [tilespmem:s31+$0x2780];
	_ =	sdelay $0x2  }
.Ltmp3:
0x3c: {  	(pc) =	sbr.rel @p0 .LBB2_8-.Ltmp3, $4  }
0x3d: {  	_ = 	snop  }
0x3e: {  	v3 =	vadd.f32 v2, v3  }
0x3f: {  	s0 =	sshra.s32 s1, $0x2  }
0x40: {  	s1 =	sadd.s32 $0x40, s1;
	v2 =	vld [tilespmem:s0+$0x5200];
	[tilespmem:s31+$0x2780] =	vst v3;
	s31 =	smov.u32 s0  }
0x41: {  	v3 =	vld [tilespmem:s31+$0x2780];
	_ =	sdelay $0x4  }
0x42: {  	v2 =	vadd.f32 v2, v3;
	_ =	sdelay $0x1  }
0x43: {  	[tilespmem:s31+$0x2780] =	vst v2  }
0x44: {  	[tilespmem:s26], [sflag:$0x2] =	stream.linear.gather [spmem:s8], $0x280, $0x38;
	[tilespmem:$0x7C80] =	vst v63  }
0x45: {  	_ =	swait.ge [sflag:s28], $0x280  }
0x46: {  	[sflag:s28] =	ssyncset.done $0x0  }
0x47: {  	s31 =	simm.s32 $0x0;
	[sflag:s28] =	ssyncadd.s32 $0xFFFFFD80  }
0x48: {  	s1 =	simm.s32 $0x40;
	v2 =	vld [tilespmem:s31+$0x4F80]  }
.LBB2_10:
0x49: {  	p0 =	sne.s32 s1, $0x9C0;
	v3 =	vld [tilespmem:s31+$0x2780];
	_ =	sdelay $0x2  }
.Ltmp4:
0x4a: {  	(pc) =	sbr.rel @p0 .LBB2_10-.Ltmp4, $4  }
0x4b: {  	_ = 	snop  }
0x4c: {  	v3 =	vadd.f32 v2, v3  }
0x4d: {  	s0 =	sshra.s32 s1, $0x2  }
0x4e: {  	s1 =	sadd.s32 $0x40, s1;
	v2 =	vld [tilespmem:s0+$0x4F80];
	[tilespmem:s31+$0x2780] =	vst v3;
	s31 =	smov.u32 s0  }
0x4f: {  	v3 =	vld [tilespmem:s31+$0x2780];
	_ =	sdelay $0x4  }
0x50: {  	v2 =	vadd.f32 v2, v3;
	_ =	sdelay $0x1  }
0x51: {  	[tilespmem:s31+$0x2780] =	vst v2  }
0x52: {  	[tilespmem:s25], [sflag:$0x1] =	stream.linear.gather [spmem:s9], $0x280, $0x38;
	[tilespmem:$0x7C80] =	vst v63  }
0x53: {  	_ =	swait.ge [sflag:s29], $0x280  }
0x54: {  	[sflag:s29] =	ssyncset.done $0x0  }
0x55: {  	s31 =	simm.s32 $0x0;
	[sflag:s29] =	ssyncadd.s32 $0xFFFFFD80  }
0x56: {  	s1 =	simm.s32 $0x40;
	v2 =	vld [tilespmem:s31+$0x5200]  }
.LBB2_12:
0x57: {  	p0 =	sne.s32 s1, $0x9C0;
	v3 =	vld [tilespmem:s31+$0x2780];
	_ =	sdelay $0x2  }
.Ltmp5:
0x58: {  	(pc) =	sbr.rel @p0 .LBB2_12-.Ltmp5, $4  }
0x59: {  	_ = 	snop  }
0x5a: {  	v3 =	vadd.f32 v2, v3  }
0x5b: {  	s0 =	sshra.s32 s1, $0x2  }
0x5c: {  	s1 =	sadd.s32 $0x40, s1;
	v2 =	vld [tilespmem:s0+$0x5200];
	[tilespmem:s31+$0x2780] =	vst v3;
	s31 =	smov.u32 s0  }
0x5d: {  	v3 =	vld [tilespmem:s31+$0x2780];
	_ =	sdelay $0x4  }
0x5e: {  	v2 =	vadd.f32 v2, v3;
	_ =	sdelay $0x1  }
0x5f: {  	[tilespmem:s31+$0x2780] =	vst v2  }
0x60: {  	[tilespmem:s26], [sflag:$0x2] =	stream.linear.gather [spmem:s10], $0x280, $0x38;
	[tilespmem:$0x7C80] =	vst v63  }
0x61: {  	_ =	swait.ge [sflag:s28], $0x280  }
0x62: {  	[sflag:s28] =	ssyncset.done $0x0  }
0x63: {  	s31 =	simm.s32 $0x0;
	[sflag:s28] =	ssyncadd.s32 $0xFFFFFD80  }
0x64: {  	s1 =	simm.s32 $0x40;
	v2 =	vld [tilespmem:s31+$0x4F80]  }
.LBB2_14:
0x65: {  	p0 =	sne.s32 s1, $0x9C0;
	v3 =	vld [tilespmem:s31+$0x2780];
	_ =	sdelay $0x2  }
.Ltmp6:
0x66: {  	(pc) =	sbr.rel @p0 .LBB2_14-.Ltmp6, $4  }
0x67: {  	_ = 	snop  }
0x68: {  	v3 =	vadd.f32 v2, v3  }
0x69: {  	s0 =	sshra.s32 s1, $0x2  }
0x6a: {  	s1 =	sadd.s32 $0x40, s1;
	v2 =	vld [tilespmem:s0+$0x4F80];
	[tilespmem:s31+$0x2780] =	vst v3;
	s31 =	smov.u32 s0  }
0x6b: {  	v3 =	vld [tilespmem:s31+$0x2780];
	_ =	sdelay $0x4  }
0x6c: {  	v2 =	vadd.f32 v2, v3;
	_ =	sdelay $0x1  }
0x6d: {  	[tilespmem:s31+$0x2780] =	vst v2  }
0x6e: {  	[tilespmem:s25], [sflag:$0x1] =	stream.linear.gather [spmem:s11], $0x280, $0x38;
	[tilespmem:$0x7C80] =	vst v63  }
0x6f: {  	_ =	swait.ge [sflag:s29], $0x280  }
0x70: {  	[sflag:s29] =	ssyncset.done $0x0  }
0x71: {  	s31 =	simm.s32 $0x0;
	[sflag:s29] =	ssyncadd.s32 $0xFFFFFD80  }
0x72: {  	s1 =	simm.s32 $0x40;
	v2 =	vld [tilespmem:s31+$0x5200]  }
.LBB2_16:
0x73: {  	p0 =	sne.s32 s1, $0x9C0;
	v3 =	vld [tilespmem:s31+$0x2780];
	_ =	sdelay $0x2  }
.Ltmp7:
0x74: {  	(pc) =	sbr.rel @p0 .LBB2_16-.Ltmp7, $4  }
0x75: {  	_ = 	snop  }
0x76: {  	v3 =	vadd.f32 v2, v3  }
0x77: {  	s0 =	sshra.s32 s1, $0x2  }
0x78: {  	s1 =	sadd.s32 $0x40, s1;
	v2 =	vld [tilespmem:s0+$0x5200];
	[tilespmem:s31+$0x2780] =	vst v3;
	s31 =	smov.u32 s0  }
0x79: {  	v3 =	vld [tilespmem:s31+$0x2780];
	_ =	sdelay $0x4  }
0x7a: {  	v2 =	vadd.f32 v2, v3;
	_ =	sdelay $0x1  }
0x7b: {  	[tilespmem:s31+$0x2780] =	vst v2  }
0x7c: {  	[tilespmem:s26], [sflag:$0x2] =	stream.linear.gather [spmem:s12], $0x280, $0x38;
	[tilespmem:$0x7C80] =	vst v63  }
0x7d: {  	_ =	swait.ge [sflag:s28], $0x280  }
0x7e: {  	[sflag:s28] =	ssyncset.done $0x0  }
0x7f: {  	s31 =	simm.s32 $0x0;
	[sflag:s28] =	ssyncadd.s32 $0xFFFFFD80  }
0x80: {  	s1 =	simm.s32 $0x40;
	v2 =	vld [tilespmem:s31+$0x4F80]  }
.LBB2_18:
0x81: {  	p0 =	sne.s32 s1, $0x9C0;
	v3 =	vld [tilespmem:s31+$0x2780];
	_ =	sdelay $0x2  }
.Ltmp8:
0x82: {  	(pc) =	sbr.rel @p0 .LBB2_18-.Ltmp8, $4  }
0x83: {  	_ = 	snop  }
0x84: {  	v3 =	vadd.f32 v2, v3  }
0x85: {  	s0 =	sshra.s32 s1, $0x2  }
0x86: {  	s1 =	sadd.s32 $0x40, s1;
	v2 =	vld [tilespmem:s0+$0x4F80];
	[tilespmem:s31+$0x2780] =	vst v3;
	s31 =	smov.u32 s0  }
0x87: {  	v3 =	vld [tilespmem:s31+$0x2780];
	_ =	sdelay $0x4  }
0x88: {  	v2 =	vadd.f32 v2, v3;
	_ =	sdelay $0x1  }
0x89: {  	[tilespmem:s31+$0x2780] =	vst v2  }
0x8a: {  	[tilespmem:s25], [sflag:$0x1] =	stream.linear.gather [spmem:s13], $0x280, $0x38;
	[tilespmem:$0x7C80] =	vst v63  }
0x8b: {  	_ =	swait.ge [sflag:s29], $0x280  }
0x8c: {  	[sflag:s29] =	ssyncset.done $0x0  }
0x8d: {  	s31 =	simm.s32 $0x0;
	[sflag:s29] =	ssyncadd.s32 $0xFFFFFD80  }
0x8e: {  	s1 =	simm.s32 $0x40;
	v2 =	vld [tilespmem:s31+$0x5200]  }
.LBB2_20:
0x8f: {  	p0 =	sne.s32 s1, $0x9C0;
	v3 =	vld [tilespmem:s31+$0x2780];
	_ =	sdelay $0x2  }
.Ltmp9:
0x90: {  	(pc) =	sbr.rel @p0 .LBB2_20-.Ltmp9, $4  }
0x91: {  	_ = 	snop  }
0x92: {  	v3 =	vadd.f32 v2, v3  }
0x93: {  	s0 =	sshra.s32 s1, $0x2  }
0x94: {  	s1 =	sadd.s32 $0x40, s1;
	v2 =	vld [tilespmem:s0+$0x5200];
	[tilespmem:s31+$0x2780] =	vst v3;
	s31 =	smov.u32 s0  }
0x95: {  	v3 =	vld [tilespmem:s31+$0x2780];
	_ =	sdelay $0x4  }
0x96: {  	v2 =	vadd.f32 v2, v3;
	_ =	sdelay $0x1  }
0x97: {  	[tilespmem:s31+$0x2780] =	vst v2  }
0x98: {  	[tilespmem:s26], [sflag:$0x2] =	stream.linear.gather [spmem:s14], $0x280, $0x38;
	[tilespmem:$0x7C80] =	vst v63  }
0x99: {  	_ =	swait.ge [sflag:s28], $0x280  }
0x9a: {  	[sflag:s28] =	ssyncset.done $0x0  }
0x9b: {  	s31 =	simm.s32 $0x0;
	[sflag:s28] =	ssyncadd.s32 $0xFFFFFD80  }
0x9c: {  	s1 =	simm.s32 $0x40;
	v2 =	vld [tilespmem:s31+$0x4F80]  }
.LBB2_22:
0x9d: {  	p0 =	sne.s32 s1, $0x9C0;
	v3 =	vld [tilespmem:s31+$0x2780];
	_ =	sdelay $0x2  }
.Ltmp10:
0x9e: {  	(pc) =	sbr.rel @p0 .LBB2_22-.Ltmp10, $4  }
0x9f: {  	_ = 	snop  }
0xa0: {  	v3 =	vadd.f32 v2, v3  }
0xa1: {  	s0 =	sshra.s32 s1, $0x2  }
0xa2: {  	s1 =	sadd.s32 $0x40, s1;
	v2 =	vld [tilespmem:s0+$0x4F80];
	[tilespmem:s31+$0x2780] =	vst v3;
	s31 =	smov.u32 s0  }
0xa3: {  	v3 =	vld [tilespmem:s31+$0x2780];
	_ =	sdelay $0x4  }
0xa4: {  	v2 =	vadd.f32 v2, v3;
	_ =	sdelay $0x1  }
0xa5: {  	[tilespmem:s31+$0x2780] =	vst v2  }
0xa6: {  	[tilespmem:s25], [sflag:$0x1] =	stream.linear.gather [spmem:s15], $0x280, $0x38;
	[tilespmem:$0x7C80] =	vst v63  }
0xa7: {  	_ =	swait.ge [sflag:s29], $0x280  }
0xa8: {  	[sflag:s29] =	ssyncset.done $0x0  }
0xa9: {  	s31 =	simm.s32 $0x0;
	[sflag:s29] =	ssyncadd.s32 $0xFFFFFD80  }
0xaa: {  	s1 =	simm.s32 $0x40;
	v2 =	vld [tilespmem:s31+$0x5200]  }
.LBB2_24:
0xab: {  	p0 =	sne.s32 s1, $0x9C0;
	v3 =	vld [tilespmem:s31+$0x2780];
	_ =	sdelay $0x2  }
.Ltmp11:
0xac: {  	(pc) =	sbr.rel @p0 .LBB2_24-.Ltmp11, $4  }
0xad: {  	_ = 	snop  }
0xae: {  	v3 =	vadd.f32 v2, v3  }
0xaf: {  	s0 =	sshra.s32 s1, $0x2  }
0xb0: {  	s1 =	sadd.s32 $0x40, s1;
	v2 =	vld [tilespmem:s0+$0x5200];
	[tilespmem:s31+$0x2780] =	vst v3;
	s31 =	smov.u32 s0  }
0xb1: {  	v3 =	vld [tilespmem:s31+$0x2780];
	_ =	sdelay $0x4  }
0xb2: {  	v2 =	vadd.f32 v2, v3;
	_ =	sdelay $0x1  }
0xb3: {  	[tilespmem:s31+$0x2780] =	vst v2  }
0xb4: {  	[tilespmem:s26], [sflag:$0x2] =	stream.linear.gather [spmem:s16], $0x280, $0x38;
	[tilespmem:$0x7C80] =	vst v63  }
0xb5: {  	_ =	swait.ge [sflag:s28], $0x280  }
0xb6: {  	[sflag:s28] =	ssyncset.done $0x0  }
0xb7: {  	s31 =	simm.s32 $0x0;
	[sflag:s28] =	ssyncadd.s32 $0xFFFFFD80  }
0xb8: {  	s1 =	simm.s32 $0x40;
	v2 =	vld [tilespmem:s31+$0x4F80]  }
.LBB2_26:
0xb9: {  	p0 =	sne.s32 s1, $0x9C0;
	v3 =	vld [tilespmem:s31+$0x2780];
	_ =	sdelay $0x2  }
.Ltmp12:
0xba: {  	(pc) =	sbr.rel @p0 .LBB2_26-.Ltmp12, $4  }
0xbb: {  	_ = 	snop  }
0xbc: {  	v3 =	vadd.f32 v2, v3  }
0xbd: {  	s0 =	sshra.s32 s1, $0x2  }
0xbe: {  	s1 =	sadd.s32 $0x40, s1;
	v2 =	vld [tilespmem:s0+$0x4F80];
	[tilespmem:s31+$0x2780] =	vst v3;
	s31 =	smov.u32 s0  }
0xbf: {  	v3 =	vld [tilespmem:s31+$0x2780];
	_ =	sdelay $0x4  }
0xc0: {  	v2 =	vadd.f32 v2, v3;
	_ =	sdelay $0x1  }
0xc1: {  	[tilespmem:s31+$0x2780] =	vst v2  }
0xc2: {  	[tilespmem:s25], [sflag:$0x1] =	stream.linear.gather [spmem:s17], $0x280, $0x38;
	[tilespmem:$0x7C80] =	vst v63  }
0xc3: {  	_ =	swait.ge [sflag:s29], $0x280  }
0xc4: {  	[sflag:s29] =	ssyncset.done $0x0  }
0xc5: {  	s31 =	simm.s32 $0x0;
	[sflag:s29] =	ssyncadd.s32 $0xFFFFFD80  }
0xc6: {  	s1 =	simm.s32 $0x40;
	v2 =	vld [tilespmem:s31+$0x5200]  }
.LBB2_28:
0xc7: {  	p0 =	sne.s32 s1, $0x9C0;
	v3 =	vld [tilespmem:s31+$0x2780];
	_ =	sdelay $0x2  }
.Ltmp13:
0xc8: {  	(pc) =	sbr.rel @p0 .LBB2_28-.Ltmp13, $4  }
0xc9: {  	_ = 	snop  }
0xca: {  	v3 =	vadd.f32 v2, v3  }
0xcb: {  	s0 =	sshra.s32 s1, $0x2  }
0xcc: {  	s1 =	sadd.s32 $0x40, s1;
	v2 =	vld [tilespmem:s0+$0x5200];
	[tilespmem:s31+$0x2780] =	vst v3;
	s31 =	smov.u32 s0  }
0xcd: {  	v3 =	vld [tilespmem:s31+$0x2780];
	_ =	sdelay $0x4  }
0xce: {  	v2 =	vadd.f32 v2, v3;
	_ =	sdelay $0x1  }
0xcf: {  	[tilespmem:s31+$0x2780] =	vst v2  }
0xd0: {  	[tilespmem:s26], [sflag:$0x2] =	stream.linear.gather [spmem:s18], $0x280, $0x38;
	[tilespmem:$0x7C80] =	vst v63  }
0xd1: {  	_ =	swait.ge [sflag:s28], $0x280  }
0xd2: {  	[sflag:s28] =	ssyncset.done $0x0  }
0xd3: {  	s31 =	simm.s32 $0x0;
	[sflag:s28] =	ssyncadd.s32 $0xFFFFFD80  }
0xd4: {  	s1 =	simm.s32 $0x40;
	v2 =	vld [tilespmem:s31+$0x4F80]  }
.LBB2_30:
0xd5: {  	p0 =	sne.s32 s1, $0x9C0;
	v3 =	vld [tilespmem:s31+$0x2780];
	_ =	sdelay $0x2  }
.Ltmp14:
0xd6: {  	(pc) =	sbr.rel @p0 .LBB2_30-.Ltmp14, $4  }
0xd7: {  	_ = 	snop  }
0xd8: {  	v3 =	vadd.f32 v2, v3  }
0xd9: {  	s0 =	sshra.s32 s1, $0x2  }
0xda: {  	s1 =	sadd.s32 $0x40, s1;
	v2 =	vld [tilespmem:s0+$0x4F80];
	[tilespmem:s31+$0x2780] =	vst v3;
	s31 =	smov.u32 s0  }
0xdb: {  	v3 =	vld [tilespmem:s31+$0x2780];
	_ =	sdelay $0x4  }
0xdc: {  	v2 =	vadd.f32 v2, v3;
	_ =	sdelay $0x1  }
0xdd: {  	[tilespmem:s31+$0x2780] =	vst v2  }
0xde: {  	[tilespmem:s25], [sflag:$0x1] =	stream.linear.gather [spmem:s19], $0x280, $0x38;
	[tilespmem:$0x7C80] =	vst v63  }
0xdf: {  	_ =	swait.ge [sflag:s29], $0x280  }
0xe0: {  	[sflag:s29] =	ssyncset.done $0x0  }
0xe1: {  	s31 =	simm.s32 $0x0;
	[sflag:s29] =	ssyncadd.s32 $0xFFFFFD80  }
0xe2: {  	s1 =	simm.s32 $0x40;
	v2 =	vld [tilespmem:s31+$0x5200]  }
.LBB2_32:
0xe3: {  	p0 =	sne.s32 s1, $0x9C0;
	v3 =	vld [tilespmem:s31+$0x2780];
	_ =	sdelay $0x2  }
.Ltmp15:
0xe4: {  	(pc) =	sbr.rel @p0 .LBB2_32-.Ltmp15, $4  }
0xe5: {  	_ = 	snop  }
0xe6: {  	v3 =	vadd.f32 v2, v3  }
0xe7: {  	s0 =	sshra.s32 s1, $0x2  }
0xe8: {  	s1 =	sadd.s32 $0x40, s1;
	v2 =	vld [tilespmem:s0+$0x5200];
	[tilespmem:s31+$0x2780] =	vst v3;
	s31 =	smov.u32 s0  }
0xe9: {  	v3 =	vld [tilespmem:s31+$0x2780];
	_ =	sdelay $0x4  }
0xea: {  	v2 =	vadd.f32 v2, v3;
	_ =	sdelay $0x1  }
0xeb: {  	[tilespmem:s31+$0x2780] =	vst v2  }
0xec: {  	[tilespmem:s26], [sflag:$0x2] =	stream.linear.gather [spmem:s20], $0x280, $0x38;
	[tilespmem:$0x7C80] =	vst v63  }
0xed: {  	_ =	swait.ge [sflag:s28], $0x280  }
0xee: {  	[sflag:s28] =	ssyncset.done $0x0  }
0xef: {  	s31 =	simm.s32 $0x0;
	[sflag:s28] =	ssyncadd.s32 $0xFFFFFD80  }
0xf0: {  	s1 =	simm.s32 $0x40;
	v2 =	vld [tilespmem:s31+$0x4F80]  }
.LBB2_34:
0xf1: {  	p0 =	sne.s32 s1, $0x9C0;
	v3 =	vld [tilespmem:s31+$0x2780];
	_ =	sdelay $0x2  }
.Ltmp16:
0xf2: {  	(pc) =	sbr.rel @p0 .LBB2_34-.Ltmp16, $4  }
0xf3: {  	_ = 	snop  }
0xf4: {  	v3 =	vadd.f32 v2, v3  }
0xf5: {  	s0 =	sshra.s32 s1, $0x2  }
0xf6: {  	s1 =	sadd.s32 $0x40, s1;
	v2 =	vld [tilespmem:s0+$0x4F80];
	[tilespmem:s31+$0x2780] =	vst v3;
	s31 =	smov.u32 s0  }
0xf7: {  	v3 =	vld [tilespmem:s31+$0x2780];
	_ =	sdelay $0x4  }
0xf8: {  	v2 =	vadd.f32 v2, v3;
	_ =	sdelay $0x1  }
0xf9: {  	[tilespmem:s31+$0x2780] =	vst v2  }
0xfa: {  	_ =	swait.ge [sflag:s29], $0x280  }
0xfb: {  	[sflag:s29] =	ssyncset.done $0x0  }
0xfc: {  	s31 =	simm.s32 $0x0;
	[sflag:s29] =	ssyncadd.s32 $0xFFFFFD80  }
0xfd: {  	s1 =	simm.s32 $0x40;
	v2 =	vld [tilespmem:s31+$0x5200]  }
.LBB2_36:
0xfe: {  	p0 =	sne.s32 s1, $0x9C0;
	v3 =	vld [tilespmem:s31+$0x2780];
	_ =	sdelay $0x2  }
.Ltmp17:
0xff: {  	(pc) =	sbr.rel @p0 .LBB2_36-.Ltmp17, $4  }
0x100: {  	_ = 	snop  }
0x101: {  	v3 =	vadd.f32 v2, v3  }
0x102: {  	s0 =	sshra.s32 s1, $0x2  }
0x103: {  	s1 =	sadd.s32 $0x40, s1;
	v2 =	vld [tilespmem:s0+$0x5200];
	[tilespmem:s31+$0x2780] =	vst v3;
	s31 =	smov.u32 s0  }
0x104: {  	v3 =	vld [tilespmem:s31+$0x2780];
	_ =	sdelay $0x4  }
0x105: {  	s30 =	sadd.s32 $0x1, s30;
	v2 =	vadd.f32 v2, v3  }
0x106: {  	p0 =	sne.s32 s30, s22  }
.Ltmp18:
0x107: {  	[tilespmem:s31+$0x2780] =	vst v2;
	(pc) =	sbr.rel @p0 .LBB2_1-.Ltmp18, $4  }
0x108: {  	[hbm4b:s21+s2] =	stream.linear.scatter [tilespmem:s24], [sflag:$0x3], $0x280, $0x38;
	[tilespmem:$0x7C80] =	vst v63  }
0x109: {  	_ =	swait.ge [sflag:s23], $0x280  }
0x10a: {  	[sflag:s23] =	ssyncset.done $0x0  }
0x10b: {  	[sflag:s23] =	ssyncadd.s32 $0xFFFFFD80  }
0x10c: {  	_ =	sfence.sel $0x180000  }
0x10d: {  	[bflag:$0x0] =	sbarrier.arrive $0xFFFF  }
0x10e: {  	_ =	strace $0x90000047  }
0x10f: {  	s0 =	stileid.u32;
	[bflag:$0x2] =	sbarrier.arrive $0xFFFF  }
0x110: {  	p0 =	sne.s32 s0, $0x0;
	s0 =	rddreg [dreg:$0x3]  }
0x111: {  	s0 =	sadd.s32 @!p0 $0x100000, s0  }
0x112: {  	[sflag:s0] =	ssyncadd.tile.s32 @!p0 $0x1;
	_ =	shalt  }
.Lfunc_end2:
_tile_overlayer_lowered:
.L_overlay_start_2:
0x113: {  	(tag) =	ssettag $0x2  }
0x114: {  	s0 =	rddreg [dreg:$0x0];
	s2 =	stileid.u32  }
0x115: {  	s1 =	rddreg [dreg:$0x1];
	p0 =	sne.s32 s2, $0x0  }
0x116: {  	s3 =	rddreg [dreg:$0x2];
	[bflag:$0x3] =	sbarrier.arrive $0xFFFF;
	s2 =	simm.s32 @!p0 $0x1C03  }
0x117: {  	[timem:s3], [sflag:s2] =	dma.local @!p0 [hbm:s0], s1  }
0x118: {  	s0 =	simm.s32 @!p0 $0x3  }
0x119: {  	_ =	swait.ge @!p0 [sflag:s0], s1  }
0x11a: {  	s1 =	ssub.s32 @!p0 $0x0, s1;
	[sflag:s0] =	ssyncset.done @!p0 $0x0  }
0x11b: {  	[sflag:s0] =	ssyncadd.s32 @!p0 s1  }
0x11c: {  	[bflag:$0x3] =	sbarrier.arrive $0xFFFF  }
0x11d: {  	_ =	shalt  }

// kernel: kernel.9.cloned.1.call-start
scs
__scs_entry_jumppad:
0x0: {  	(pc) =	sbr.rel $0x88, $3  }
0x1: {  	(tag) =	ssettag $0x0;
	lr =	simm.s32 $0x1  }
0x2: {  	[smem:$0x3F9D] =	sst lr;
	_ =	strace $0xD0000000  }
0x3: {  	_ = 	snop  }
0x4: {  	_ = 	snop  }
0x5: {  	_ = 	snop  }
0x6: {  	_ = 	snop  }
0x7: {  	_ = 	snop  }
__scs_overlays_trampoline_lowered:
0x8: {  	[smem:$0x3FAC] =	sst s0  }
0x9: {  	[smem:$0x3FAD] =	sst s1  }
0xa: {  	[smem:$0x3FAE] =	sst s2  }
0xb: {  	[smem:$0x3FAF] =	sst s3  }
0xc: {  	[smem:$0x3FB0] =	sst s4  }
0xd: {  	[smem:$0x3FB1] =	sst s5  }
0xe: {  	[smem:$0x3FB2] =	sst s6  }
0xf: {  	[smem:$0x3FB3] =	sst s7  }
0x10: {  	[smem:$0x3FB4] =	sst s8  }
0x11: {  	[smem:$0x3FB5] =	sst s9;
	s0 =	simm.s32 @!p0 $0x0  }
0x12: {  	s1 =	sld [smem:$0x3F9B];
	s0 =	simm.s32 @p0 $0x1  }
0x13: {  	[smem:$0x3FB6] =	sst s0;
	s0 =	simm.s32 @!p1 $0x0  }
0x14: {  	s2 =	sld [smem:$0x3F9A];
	s0 =	simm.s32 @p1 $0x1  }
0x15: {  	[smem:$0x3FB7] =	sst s0;
	s0 =	simm.s32 @!p2 $0x0  }
0x16: {  	s3 =	sld [smem:$0x3FDB];
	s0 =	simm.s32 @p2 $0x1  }
0x17: {  	s4 =	simm.s32 $0x1BF5;
	[smem:$0x3FB9] =	sst s0  }
0x18: {  	s0 =	sld [smem:$0x3F9C];
	_ =	swait.ge [sflag:s4], $0x0  }
0x19: {  	s7 =	sld [smem:$0x3F9D]  }
0x1a: {  	s8 =	sadd.s32 $0xFFFFE003, lr  }
0x1b: {  	s9 =	sadd.s32 $0xFFFFFEF7, lr;
	s5 =	simm.s32 $0xFFFFFFFF;
	p2 =	slt.u32 s8, $0xFFFFF086  }
0x1c: {  	p1 =	slt.u32 s9, $0xF7A;
	s5 =	simm.s32 @!p2 $0x0  }
0x1d: {  	s5 =	simm.s32 @p1 $0x1;
	p0 =	seq.s32 s7, s2  }
0x1e: {  	s7 =	smul.u32 @!p0 $0xF7A, s2;
	p2 =	seq.s32 @!p0 s5, $0x0  }
0x1f: {  	s9 =	smul.u32 $0xF7A, s1;
	s8 =	simm.s32 @!p0 $0x1BF5;
	p2 =	por !p2, p0  }
0x20: {  	[sflag:s8] =	ssyncset.s32 @!p0 $0xFFFFF086;
	s6 =	sadd.s32 @!p0 s3, s7;
	s7 =	simm.s32 @!p0 $0x108  }
0x21: {  	s3 =	sadd.s32 s3, s9;
	s6 =	sadd.s32 @!p0 $0x88, s6;
	s7 =	simm.s32 @p2 $0x1082  }
0x22: {  	[simem:s7], [sflag:s8] =	dma.local @!p0 [hbm:s6], $0xF7A  }
0x23: {  	s9 =	sor.u32 $0xD0000000, s2;
	s6 =	simm.s32 $0x108;
	_ =	swait.ge @!p0 [sflag:s8], $0x0  }
0x24: {  	s3 =	sadd.s32 $0x88, s3;
	s6 =	simm.s32 @!p1 $0x1082;
	[sflag:s4] =	ssyncset.s32 $0xFFFFF086  }
0x25: {  	[simem:s6], [sflag:s4] =	dma.local [hbm:s3], $0xF7A  }
0x26: {  	[smem:$0x3F9D] =	sst s1;
	(tag) =	ssettag s2;
	_ =	strace s9  }
0x27: {  	s1 =	sld [smem:$0x3FAD]  }
0x28: {  	s2 =	sld [smem:$0x3FAE]  }
0x29: {  	s4 =	sld [smem:$0x3FB0]  }
0x2a: {  	p0 =	seq.s32 s5, $0x0;
	s5 =	sld [smem:$0x3FB1]  }
0x2b: {  	s6 =	sld [smem:$0x3FB2]  }
0x2c: {  	s7 =	sld [smem:$0x3FB3]  }
0x2d: {  	s3 =	simm.s32 $0x108;
	s8 =	sld [smem:$0x3FB4]  }
0x2e: {  	s3 =	simm.s32 @!p0 $0x1082;
	s9 =	sld [smem:$0x3FB5]  }
0x2f: {  	lr =	sadd.s32 s0, s3;
	s0 =	sld [smem:$0x3FAC]  }
0x30: {  	s3 =	sld [smem:$0x3FAF]  }
0x31: {  	[smem:$0x3FB8] =	sst s10  }
0x32: {  	s10 =	sld [smem:$0x3FB6];
	_ =	sdelay $0x3  }
0x33: {  	p0 =	seq.s32 s10, $0x1;
	s10 =	sld [smem:$0x3FB8];
	_ =	sdelay $0x3  }
0x34: {  	[smem:$0x3FB8] =	sst s10  }
0x35: {  	s10 =	sld [smem:$0x3FB7];
	_ =	sdelay $0x3  }
0x36: {  	p1 =	seq.s32 s10, $0x1;
	s10 =	sld [smem:$0x3FB8];
	_ =	sdelay $0x3  }
0x37: {  	[smem:$0x3FB8] =	sst s10  }
0x38: {  	s10 =	sld [smem:$0x3FB9]  }
0x39: {  	_ = 	snop;
	(pc) =	sbr.ind lr, $3  }
0x3a: {  	_ = 	snop  }
0x3b: {  	_ = 	snop  }
0x3c: {  	p2 =	seq.s32 s10, $0x1;
	s10 =	sld [smem:$0x3FB8]  }
0x3d: {  	_ =	shalt  }
0x3e: {  	_ =	shalt  }
0x3f: {  	_ =	shalt  }
0x40: {  	_ =	shalt  }
0x41: {  	_ =	shalt  }
0x42: {  	_ =	shalt  }
0x43: {  	_ =	shalt  }
0x44: {  	_ =	shalt  }
0x45: {  	_ =	shalt  }
0x46: {  	_ =	shalt  }
0x47: {  	_ =	shalt  }
0x48: {  	_ =	shalt  }
0x49: {  	_ =	shalt  }
0x4a: {  	_ =	shalt  }
0x4b: {  	_ =	shalt  }
0x4c: {  	_ =	shalt  }
0x4d: {  	_ =	shalt  }
0x4e: {  	_ =	shalt  }
0x4f: {  	_ =	shalt  }
0x50: {  	_ =	shalt  }
0x51: {  	_ =	shalt  }
0x52: {  	_ =	shalt  }
0x53: {  	_ =	shalt  }
0x54: {  	_ =	shalt  }
0x55: {  	_ =	shalt  }
0x56: {  	_ =	shalt  }
0x57: {  	_ =	shalt  }
0x58: {  	_ =	shalt  }
0x59: {  	_ =	shalt  }
0x5a: {  	_ =	shalt  }
0x5b: {  	_ =	shalt  }
0x5c: {  	_ =	shalt  }
0x5d: {  	_ =	shalt  }
0x5e: {  	_ =	shalt  }
0x5f: {  	_ =	shalt  }
0x60: {  	_ =	shalt  }
0x61: {  	_ =	shalt  }
0x62: {  	_ =	shalt  }
0x63: {  	_ =	shalt  }
0x64: {  	_ =	shalt  }
0x65: {  	_ =	shalt  }
0x66: {  	_ =	shalt  }
0x67: {  	_ =	shalt  }
0x68: {  	_ =	shalt  }
0x69: {  	_ =	shalt  }
0x6a: {  	_ =	shalt  }
0x6b: {  	_ =	shalt  }
0x6c: {  	_ =	shalt  }
0x6d: {  	_ =	shalt  }
0x6e: {  	_ =	shalt  }
0x6f: {  	_ =	shalt  }
0x70: {  	_ =	shalt  }
0x71: {  	_ =	shalt  }
0x72: {  	_ =	shalt  }
0x73: {  	_ =	shalt  }
0x74: {  	_ =	shalt  }
0x75: {  	_ =	shalt  }
0x76: {  	_ =	shalt  }
0x77: {  	_ =	shalt  }
0x78: {  	_ =	shalt  }
0x79: {  	_ =	shalt  }
0x7a: {  	_ =	shalt  }
0x7b: {  	_ =	shalt  }
0x7c: {  	_ =	shalt  }
0x7d: {  	_ =	shalt  }
0x7e: {  	_ =	shalt  }
0x7f: {  	_ =	shalt  }
0x80: {  	_ =	shalt  }
0x81: {  	_ =	shalt  }
0x82: {  	_ =	shalt  }
0x83: {  	_ =	shalt  }
0x84: {  	_ =	shalt  }
0x85: {  	_ =	shalt  }
0x86: {  	_ =	shalt  }
0x87: {  	_ =	shalt  }
.Lfunc_end0:
.L_simem_size_0:
called_computation.1_lowered:
.L_overlay_start_0:
0x88: {  	s2 =	sld [smem:$0x3FD9]  }
0x89: {  	s3 =	sld [smem:$0x3FFE];
	_ =	sdelay $0x1  }
0x8a: {  	s1 =	srdreg.scid  }
0x8b: {  	s0 =	sand.u32 $0x1, s1  }
0x8c: {  	s17 =	sshll.u32 s0, $0xA;
	s2 =	sadd.s32 s3, s2  }
0x8d: {  	s2 =	sadd.s32 s2, s17  }
0x8e: {  	[smem:$0x3FC4] =	sst s2  }
0x8f: {  	_ = 	snop  }
0x90: {  	s2 =	sld [smem:$0x3FD0];
	(tm) =	ssettm $0x1  }
0x91: {  	s18 =	sld [smem:$0x3FFB];
	_ =	sdelay $0x3  }
0x92: {  	_ =	strace s18  }
0x93: {  	s3 =	sld [smem:$0x3FFC];
	_ =	sdelay $0x3  }
0x94: {  	_ =	strace s3  }
0x95: {  	s3 =	sld [smem:$0x3FFD];
	_ =	sdelay $0x3  }
0x96: {  	_ =	strace s3  }
0x97: {  	_ =	strace $0x8FFFFFFF  }
0x98: {  	s19 =	sld [smem:$0x3FDB];
	_ =	sdelay $0x1  }
0x99: {  	s4 =	simm.s32 $_scs_section_size  }
0x9a: {  	s5 =	simm.s32 $_size__tile_overlayer_lowered;
	s6 =	simm.s32 $_tile_overlayer_lowered  }
0x9b: {  	s22 =	simm.s32 $0x1BFF;
	s21 =	sshll.u32 s6, $0x1;
	s3 =	sadd.s32 s4, s19  }
0x9c: {  	s7 =	simm.s32 $0x0;
	s20 =	sshll.u32 s5, $0x1;
	s5 =	sadd.s32 s21, s3  }
0x9d: {  	[timem:s7], [sflag:s22] =	dma.local [hbm:s5], s20  }
0x9e: {  	_ =	swait.ge [sflag:s22], s20  }
0x9f: {  	s4 =	ssub.s32 $0x0, s20;
	[sflag:s22] =	ssyncset.done $0x0  }
0xa0: {  	[sflag:s22] =	ssyncadd.s32 s4;
	_ =	sdelay $0x1  }
0xa1: {  	s23 =	simm.s32 $0x1B8B  }
0xa2: {  	_ =	swait.ge [sflag:s23], $0x1  }
0xa3: {  	[sflag:s23] =	ssyncset.done $0x0  }
0xa4: {  	s25 =	simm.s32 $0x1B8E;
	s24 =	sld [smem:$0x3FFE];
	[sflag:s23] =	ssyncadd.s32 $0xFFFFFFFF  }
0xa5: {  	s26 =	simm.s32 $execute0_lowered;
	[smem:$0x3FD2] =	sst s25  }
0xa6: {  	s5 =	sshll.u32 s26, $0x1;
	_ =	strace $0x80000049;
	[dreg:$0x1] =	wrdreg $0xFFFFFFFF  }
0xa7: {  	s28 =	simm.s32 $_size_execute0_lowered;
	s3 =	sadd.s32 s3, s5;
	[dreg:$0x0] =	wrdreg $0x0  }
0xa8: {  	s5 =	sshll.u32 s28, $0x1;
	[dreg:$0x2] =	wrdreg s3  }
0xa9: {  	[dreg:$0x3] =	wrdreg s5  }
0xaa: {  	[dreg:$0x4] =	wrdreg $0xC0  }
0xab: {  	_ =	task [dreg:s7], $0x5FFFF  }
0xac: {  	[dreg:$0x1] =	wrdreg $0xFFFFFFFF  }
0xad: {  	[dreg:$0x0] =	wrdreg $0x60  }
0xae: {  	[dreg:$0x2] =	wrdreg s2  }
0xaf: {  	[dreg:$0x3] =	wrdreg s24  }
0xb0: {  	[dreg:$0x4] =	wrdreg $0xB3000  }
0xb1: {  	[dreg:$0x5] =	wrdreg $0x9  }
0xb2: {  	_ =	task.clear_ibuf [dreg:s7], $0x6FFFF;
	_ =	strace $0x90000049  }
0xb3: {  	s29 =	simm.s32 $0x9;
	_ =	strace $0x8000004B  }
0xb4: {  	_ =	swait.ge [sflag:s29], $0x1  }
0xb5: {  	[sflag:s29] =	ssyncadd.s32 $0xFFFFFFFF  }
0xb6: {  	_ =	strace $0x9000004B  }
0xb7: {  	_ =	sfence  }
0xb8: {  	s30 =	sld [smem:$0x0];
	_ =	sdelay $0x2  }
0xb9: {  	s31 =	sshll.u32 s1, $0xD;
	s1 =	sshrl.u32 s1, $0x2  }
0xba: {  	s3 =	sand.u32 $0x4000, s31;
	s1 =	sadd.s32 s1, s30  }
0xbb: {  	s0 =	sor.u32 s3, s0;
	s1 =	sshll.u32 s1, $0x11  }
0xbc: {  	s0 =	sor.u32 s1, s0  }
0xbd: {  	s0 =	sadd.s32 $0x8F2B, s0  }
0xbe: {  	[sflag:s0] =	ssyncadd.remote.s32 $0x1  }
0xbf: {  	_ =	sfence.sel $0xFFFF  }
0xc0: {  	[dreg:$0x0] =	wrdreg $0xFFFFFFFF;
	(pc) =	sbr.abs _section_cstart, $3  }
0xc1: {  	[dreg:$0x1] =	wrdreg $0xFFFFFFFF  }
0xc2: {  	_ =	task.clear_ibuf [dreg:s7], $0x2FFFF;
	_ =	strace $0x9FFFFFFF  }
0xc3: {  	(tm) =	ssettm $0x7FFFFFFF  }
tec
execute0_lowered:
.L_overlay_start_1:
0x0: {  	(tag) =	ssettag $0x1  }
0x1: {  	s0 =	srdreg.scid  }
0x2: {  	s8 =	stileid.u32;
	s2 =	rddreg [dreg:$0x0]  }
0x3: {  	s6 =	rddreg [dreg:$0x1];
	s7 =	smul.u32 $0x14000, s8  }
0x4: {  	s0 =	sand.u32 $0x1, s0;
	s1 =	sshll.u32 s8, $0x1;
	s8 =	smul.u32 $0x50000, s8  }
0x5: {  	s3 =	rddreg [dreg:$0x2];
	s4 =	simm.s32 $0x0;
	s5 =	smul.u32 $0x140000, s0  }
0x6: {  	s28 =	simm.s32 $0x2780;
	s29 =	simm.s32 $0x6;
	s30 =	simm.s32 $0x28  }
0x7: {  	s31 =	simm.s32 $0x7700;
	s13 =	sshrl.u32 s8, $0x2;
	s5 =	sadd.s32 s7, s5  }
0x8: {  	s10 =	simm.s32 $0x4;
	s14 =	sshrl.u32 s5, $0x3;
	s5 =	sadd.s32 s13, s3  }
0x9: {  	s11 =	simm.s32 $0x5;
	[smem:$0x7FF] =	sst s4;
	s7 =	sadd.s32 $0x1400, s5  }
0xa: {  	_ =	strace $0x8000004A;
	s15 =	sadd.s32 $0x2800, s5;
	[dreg:$0x4] =	wrdreg s7  }
0xb: {  	s12 =	simm.s32 $0x7;
	s16 =	sadd.s32 $0x3C00, s5;
	[dreg:$0x5] =	wrdreg s15  }
0xc: {  	s1 =	sor.u32 s0, s1;
	s17 =	sadd.s32 $0x5000, s5;
	[dreg:$0x6] =	wrdreg s16  }
0xd: {  	s0 =	ssub.s32 $0x2, s0;
	s18 =	sadd.s32 $0x6400, s5;
	[dreg:$0x7] =	wrdreg s17  }
0xe: {  	s1 =	smul.u32 $0x4E2, s1;
	s19 =	sadd.s32 $0x7800, s5;
	[dreg:$0x8] =	wrdreg s18  }
0xf: {  	s9 =	sshrl.u32 s0, $0x1;
	s20 =	sadd.s32 $0x8C00, s5;
	[dreg:$0x9] =	wrdreg s19  }
0x10: {  	s8 =	simm.s32 $0x2;
	s21 =	sadd.s32 $0xA000, s5;
	[dreg:$0xa] =	wrdreg s20  }
0x11: {  	s0 =	ssub.s32 s0, s9;
	s22 =	sadd.s32 $0xB400, s5;
	[dreg:$0xb] =	wrdreg s21  }
0x12: {  	s9 =	simm.s32 $0x3;
	s23 =	sadd.s32 $0xC800, s5;
	[dreg:$0xc] =	wrdreg s22  }
0x13: {  	s1 =	sadd.s32 s1, s6;
	s24 =	sadd.s32 $0xDC00, s5;
	[dreg:$0xd] =	wrdreg s23  }
0x14: {  	s13 =	simm.s32 $0x8;
	s25 =	sadd.s32 $0xF000, s5;
	[dreg:$0xe] =	wrdreg s24  }
0x15: {  	s6 =	sadd.s32 s14, s6;
	s26 =	sadd.s32 $0x10400, s5;
	[dreg:$0xf] =	wrdreg s25  }
0x16: {  	s14 =	simm.s32 $0x9;
	[dreg:$0x10] =	wrdreg s26;
	s19 =	sadd.s32 $0x11800, s5  }
0x17: {  	s20 =	sadd.s32 $0x12C00, s5;
	s21 =	sadd.s32 $0xE00, s1;
	s22 =	sadd.s32 $0xAC00, s1  }
0x18: {  	s23 =	sadd.s32 $0x14A00, s6;
	s24 =	smax.u32 s0, $0x1;
	s25 =	simm.s32 $0x4F00  }
0x19: {  	s26 =	simm.s32 $0xB;
	s1 =	simm.s32 $0x6300;
	s0 =	simm.s32 $0x8B00  }
0x1a: {  	v0 =	vimm.f32 $0.0e+00;
	s6 =	simm.s32 $0x9F00;
	s7 =	simm.s32 $0x1;
	s15 =	simm.s32 $0xA  }
.LBB2_1:
0x1b: {  	s16 =	simm.s32 $0x0;
	s17 =	simm.s32 $0x200  }
.LBB2_2:
0x1c: {  	p0 =	sne.s32 s17, $0x4E00;
	[tilespmem:s16+$0x4F70] =	vst v0  }
0x1d: {  	[tilespmem:s16+$0x4F00] =	vst v0  }
0x1e: {  	[tilespmem:s16+$0x4F10] =	vst v0  }
.Ltmp0:
0x1f: {  	[tilespmem:s16+$0x4F20] =	vst v0;
	(pc) =	sbr.rel @p0 .LBB2_2-.Ltmp0, $4  }
0x20: {  	[tilespmem:s16+$0x4F30] =	vst v0  }
0x21: {  	[tilespmem:s16+$0x4F40] =	vst v0  }
0x22: {  	[tilespmem:s16+$0x4F50] =	vst v0  }
0x23: {  	[tilespmem:s16+$0x4F60] =	vst v0;
	s16 =	sshra.s32 s17, $0x2;
	s17 =	sadd.s32 $0x200, s17  }
0x24: {  	[tilespmem:s16+$0x4F70] =	vst v0  }
0x25: {  	[tilespmem:s16+$0x4F00] =	vst v0  }
0x26: {  	[tilespmem:s16+$0x4F10] =	vst v0  }
0x27: {  	[tilespmem:s16+$0x4F20] =	vst v0  }
0x28: {  	[tilespmem:s16+$0x4F30] =	vst v0  }
0x29: {  	[tilespmem:s16+$0x4F40] =	vst v0  }
0x2a: {  	[tilespmem:s16+$0x4F50] =	vst v0  }
0x2b: {  	[tilespmem:s16+$0x4F60] =	vst v0  }
0x2c: {  	[spmem:s5] =	stream.linear.scatter [tilespmem:s25], [sflag:$0x6], $0x1400, $0x38;
	[tilespmem:$0x1F300] =	vst v63  }
0x2d: {  	s18 =	rddreg [dreg:$0x4]  }
0x2e: {  	[spmem:s18] =	stream.linear.scatter [tilespmem:s25], [sflag:$0x6], $0x1400, $0x38;
	[tilespmem:$0x1F300] =	vst v63  }
0x2f: {  	s17 =	rddreg [dreg:$0x5]  }
0x30: {  	[spmem:s17] =	stream.linear.scatter [tilespmem:s25], [sflag:$0x6], $0x1400, $0x38;
	[tilespmem:$0x1F300] =	vst v63  }
0x31: {  	s18 =	rddreg [dreg:$0x6]  }
0x32: {  	[spmem:s18] =	stream.linear.scatter [tilespmem:s25], [sflag:$0x6], $0x1400, $0x38;
	[tilespmem:$0x1F300] =	vst v63  }
0x33: {  	s17 =	rddreg [dreg:$0x7]  }
0x34: {  	[spmem:s17] =	stream.linear.scatter [tilespmem:s25], [sflag:$0x6], $0x1400, $0x38;
	[tilespmem:$0x1F300] =	vst v63  }
0x35: {  	s18 =	rddreg [dreg:$0x8]  }
0x36: {  	[spmem:s18] =	stream.linear.scatter [tilespmem:s25], [sflag:$0x6], $0x1400, $0x38;
	[tilespmem:$0x1F300] =	vst v63  }
0x37: {  	s17 =	rddreg [dreg:$0x9]  }
0x38: {  	[spmem:s17] =	stream.linear.scatter [tilespmem:s25], [sflag:$0x6], $0x1400, $0x38;
	[tilespmem:$0x1F300] =	vst v63  }
0x39: {  	s18 =	rddreg [dreg:$0xa]  }
0x3a: {  	[spmem:s18] =	stream.linear.scatter [tilespmem:s25], [sflag:$0x6], $0x1400, $0x38;
	[tilespmem:$0x1F300] =	vst v63  }
0x3b: {  	s17 =	rddreg [dreg:$0xb]  }
0x3c: {  	[spmem:s17] =	stream.linear.scatter [tilespmem:s25], [sflag:$0x6], $0x1400, $0x38;
	[tilespmem:$0x1F300] =	vst v63  }
0x3d: {  	s18 =	rddreg [dreg:$0xc]  }
0x3e: {  	[spmem:s18] =	stream.linear.scatter [tilespmem:s25], [sflag:$0x6], $0x1400, $0x38;
	[tilespmem:$0x1F300] =	vst v63  }
0x3f: {  	s17 =	rddreg [dreg:$0xd]  }
0x40: {  	[spmem:s17] =	stream.linear.scatter [tilespmem:s25], [sflag:$0x6], $0x1400, $0x38;
	[tilespmem:$0x1F300] =	vst v63  }
0x41: {  	s18 =	rddreg [dreg:$0xe]  }
0x42: {  	[spmem:s18] =	stream.linear.scatter [tilespmem:s25], [sflag:$0x6], $0x1400, $0x38;
	[tilespmem:$0x1F300] =	vst v63  }
0x43: {  	s17 =	rddreg [dreg:$0xf]  }
0x44: {  	[spmem:s17] =	stream.linear.scatter [tilespmem:s25], [sflag:$0x6], $0x1400, $0x38;
	[tilespmem:$0x1F300] =	vst v63  }
0x45: {  	s18 =	rddreg [dreg:$0x10]  }
0x46: {  	[spmem:s18] =	stream.linear.scatter [tilespmem:s25], [sflag:$0x6], $0x1400, $0x38;
	[tilespmem:$0x1F300] =	vst v63  }
0x47: {  	_ = 	snop  }
0x48: {  	[spmem:s19] =	stream.linear.scatter [tilespmem:s25], [sflag:$0x6], $0x1400, $0x38;
	[tilespmem:$0x1F300] =	vst v63  }
0x49: {  	_ = 	snop  }
0x4a: {  	[spmem:s20] =	stream.linear.scatter [tilespmem:s25], [sflag:$0x6], $0x1400, $0x38;
	[tilespmem:$0x1F300] =	vst v63  }
0x4b: {  	s17 =	simm.s32 $0x0  }
0x4c: {  	[tilespmem:s17], [sflag:$0xB] =	stream.linear.gather [hbm4b:s21+s17], $0x2710, $0x38;
	[tilespmem:$0x1F300] =	vst v63  }
0x4d: {  	_ =	swait.ge [sflag:s26], $0x2710  }
0x4e: {  	[sflag:s26] =	ssyncset.done $0x0  }
0x4f: {  	[sflag:s26] =	ssyncadd.s32 $0xFFFFD8F0  }
0x50: {  	[tilespmem:s28], [sflag:$0xB] =	stream.linear.gather [hbm4b:s22+s17], $0x2710, $0x38;
	[tilespmem:$0x1F300] =	vst v63  }
0x51: {  	_ =	swait.ge [sflag:s26], $0x2710  }
0x52: {  	[sflag:s26] =	ssyncset.done $0x0  }
0x53: {  	[sflag:s26] =	ssyncadd.s32 $0xFFFFD8F0  }
0x54: {  	_ =	swait.ge [sflag:s29], $0x1400  }
0x55: {  	[sflag:s29] =	ssyncset.done $0x0  }
0x56: {  	[sflag:s29] =	ssyncadd.s32 $0xFFFFEC00  }
0x57: {  	_ =	swait.ge [sflag:s29], $0x1400  }
0x58: {  	[sflag:s29] =	ssyncset.done $0x0  }
0x59: {  	[sflag:s29] =	ssyncadd.s32 $0xFFFFEC00  }
0x5a: {  	_ =	swait.ge [sflag:s29], $0x1400  }
0x5b: {  	[sflag:s29] =	ssyncset.done $0x0  }
0x5c: {  	[sflag:s29] =	ssyncadd.s32 $0xFFFFEC00  }
0x5d: {  	_ =	swait.ge [sflag:s29], $0x1400  }
0x5e: {  	[sflag:s29] =	ssyncset.done $0x0  }
0x5f: {  	[sflag:s29] =	ssyncadd.s32 $0xFFFFEC00  }
0x60: {  	_ =	swait.ge [sflag:s29], $0x1400  }
0x61: {  	[sflag:s29] =	ssyncset.done $0x0  }
0x62: {  	[sflag:s29] =	ssyncadd.s32 $0xFFFFEC00  }
0x63: {  	_ =	swait.ge [sflag:s29], $0x1400  }
0x64: {  	[sflag:s29] =	ssyncset.done $0x0  }
0x65: {  	[sflag:s29] =	ssyncadd.s32 $0xFFFFEC00  }
0x66: {  	_ =	swait.ge [sflag:s29], $0x1400  }
0x67: {  	[sflag:s29] =	ssyncset.done $0x0  }
0x68: {  	[sflag:s29] =	ssyncadd.s32 $0xFFFFEC00  }
0x69: {  	_ =	swait.ge [sflag:s29], $0x1400  }
0x6a: {  	[sflag:s29] =	ssyncset.done $0x0  }
0x6b: {  	[sflag:s29] =	ssyncadd.s32 $0xFFFFEC00  }
0x6c: {  	_ =	swait.ge [sflag:s29], $0x1400  }
0x6d: {  	[sflag:s29] =	ssyncset.done $0x0  }
0x6e: {  	[sflag:s29] =	ssyncadd.s32 $0xFFFFEC00  }
0x6f: {  	_ =	swait.ge [sflag:s29], $0x1400  }
0x70: {  	[sflag:s29] =	ssyncset.done $0x0  }
0x71: {  	[sflag:s29] =	ssyncadd.s32 $0xFFFFEC00  }
0x72: {  	_ =	swait.ge [sflag:s29], $0x1400  }
0x73: {  	[sflag:s29] =	ssyncset.done $0x0  }
0x74: {  	[sflag:s29] =	ssyncadd.s32 $0xFFFFEC00  }
0x75: {  	_ =	swait.ge [sflag:s29], $0x1400  }
0x76: {  	[sflag:s29] =	ssyncset.done $0x0  }
0x77: {  	[sflag:s29] =	ssyncadd.s32 $0xFFFFEC00  }
0x78: {  	_ =	swait.ge [sflag:s29], $0x1400  }
0x79: {  	[sflag:s29] =	ssyncset.done $0x0  }
0x7a: {  	[sflag:s29] =	ssyncadd.s32 $0xFFFFEC00  }
0x7b: {  	_ =	swait.ge [sflag:s29], $0x1400  }
0x7c: {  	[sflag:s29] =	ssyncset.done $0x0  }
0x7d: {  	[sflag:s29] =	ssyncadd.s32 $0xFFFFEC00  }
0x7e: {  	_ =	swait.ge [sflag:s29], $0x1400  }
0x7f: {  	[sflag:s29] =	ssyncset.done $0x0  }
0x80: {  	[sflag:s29] =	ssyncadd.s32 $0xFFFFEC00  }
0x81: {  	_ =	swait.ge [sflag:s29], $0x1400  }
0x82: {  	[sflag:s29] =	ssyncset.done $0x0  }
0x83: {  	[sflag:s29] =	ssyncadd.s32 $0xFFFFEC00  }
0x84: {  	[tilespmem:s25], [sflag:$0x1] =	stream.indirect.gather [hbm4b:s2+s30], $0x80, s28, s30, $0xb8;
	[tilespmem:$0x1F300] =	vst v63  }
0x85: {  	s18 =	simm.s32 $0x27A8  }
0x86: {  	[tilespmem:s1], [sflag:$0x2] =	stream.indirect.gather [hbm4b:s2+s30], $0x80, s18, s30, $0xb8;
	[tilespmem:$0x1F300] =	vst v63  }
0x87: {  	s17 =	simm.s32 $0x27D0  }
0x88: {  	[tilespmem:s31], [sflag:$0x3] =	stream.indirect.gather [hbm4b:s2+s30], $0x80, s17, s30, $0xb8;
	[tilespmem:$0x1F300] =	vst v63  }
0x89: {  	s18 =	simm.s32 $0x27F8  }
0x8a: {  	[tilespmem:s0], [sflag:$0x4] =	stream.indirect.gather [hbm4b:s2+s30], $0x80, s18, s30, $0xb8;
	[tilespmem:$0x1F300] =	vst v63  }
0x8b: {  	s17 =	simm.s32 $0x2820  }
0x8c: {  	[tilespmem:s6], [sflag:$0x5] =	stream.indirect.gather [hbm4b:s2+s30], $0x80, s17, s30, $0xb8;
	[tilespmem:$0x1F300] =	vst v63  }
0x8d: {  	[bflag:$0x0] =	sbarrier.arrive $0xFFFF  }
0x8e: {  	_ =	swait.ge [sflag:s7], $0x1400  }
0x8f: {  	[sflag:s7] =	ssyncset.done $0x0  }
0x90: {  	s18 =	simm.s32 $0x0;
	[sflag:s7] =	ssyncadd.s32 $0xFFFFEC00  }
0x91: {  	[spmem:s3] =	stream.indirect.scatter.add.f32 [tilespmem:s25], [sflag:$0x6], $0x80, s18, s30, $0xb8;
	[tilespmem:$0x1F300] =	vst v63  }
0x92: {  	_ =	swait.ge [sflag:s8], $0x1400  }
0x93: {  	[sflag:s8] =	ssyncset.done $0x0  }
0x94: {  	s17 =	simm.s32 $0x28;
	[sflag:s8] =	ssyncadd.s32 $0xFFFFEC00  }
0x95: {  	[spmem:s3] =	stream.indirect.scatter.add.f32 [tilespmem:s1], [sflag:$0x7], $0x80, s17, s30, $0xb8;
	[tilespmem:$0x1F300] =	vst v63  }
0x96: {  	_ =	swait.ge [sflag:s9], $0x1400  }
0x97: {  	[sflag:s9] =	ssyncset.done $0x0  }
0x98: {  	s18 =	simm.s32 $0x50;
	[sflag:s9] =	ssyncadd.s32 $0xFFFFEC00  }
0x99: {  	[spmem:s3] =	stream.indirect.scatter.add.f32 [tilespmem:s31], [sflag:$0x8], $0x80, s18, s30, $0xb8;
	[tilespmem:$0x1F300] =	vst v63  }
0x9a: {  	_ =	swait.ge [sflag:s10], $0x1400  }
0x9b: {  	[sflag:s10] =	ssyncset.done $0x0  }
0x9c: {  	s17 =	simm.s32 $0x78;
	[sflag:s10] =	ssyncadd.s32 $0xFFFFEC00  }
0x9d: {  	[spmem:s3] =	stream.indirect.scatter.add.f32 [tilespmem:s0], [sflag:$0x9], $0x80, s17, s30, $0xb8;
	[tilespmem:$0x1F300] =	vst v63  }
0x9e: {  	_ =	swait.ge [sflag:s11], $0x1400  }
0x9f: {  	[sflag:s11] =	ssyncset.done $0x0  }
0xa0: {  	s18 =	simm.s32 $0xA0;
	[sflag:s11] =	ssyncadd.s32 $0xFFFFEC00  }
0xa1: {  	[spmem:s3] =	stream.indirect.scatter.add.f32 [tilespmem:s6], [sflag:$0xA], $0x80, s18, s30, $0xb8;
	[tilespmem:$0x1F300] =	vst v63  }
0xa2: {  	_ =	swait.ge [sflag:s29], $0x1400  }
0xa3: {  	[sflag:s29] =	ssyncset.done $0x0  }
0xa4: {  	s17 =	simm.s32 $0x2848;
	[sflag:s29] =	ssyncadd.s32 $0xFFFFEC00  }
0xa5: {  	[tilespmem:s25], [sflag:$0x1] =	stream.indirect.gather [hbm4b:s2+s30], $0x80, s17, s30, $0xb8;
	[tilespmem:$0x1F300] =	vst v63  }
0xa6: {  	_ =	swait.ge [sflag:s12], $0x1400  }
0xa7: {  	[sflag:s12] =	ssyncset.done $0x0  }
0xa8: {  	s18 =	simm.s32 $0x2870;
	[sflag:s12] =	ssyncadd.s32 $0xFFFFEC00  }
0xa9: {  	[tilespmem:s1], [sflag:$0x2] =	stream.indirect.gather [hbm4b:s2+s30], $0x80, s18, s30, $0xb8;
	[tilespmem:$0x1F300] =	vst v63  }
0xaa: {  	_ =	swait.ge [sflag:s13], $0x1400  }
0xab: {  	[sflag:s13] =	ssyncset.done $0x0  }
0xac: {  	s17 =	simm.s32 $0x2898;
	[sflag:s13] =	ssyncadd.s32 $0xFFFFEC00  }
0xad: {  	[tilespmem:s31], [sflag:$0x3] =	stream.indirect.gather [hbm4b:s2+s30], $0x80, s17, s30, $0xb8;
	[tilespmem:$0x1F300] =	vst v63  }
0xae: {  	_ =	swait.ge [sflag:s14], $0x1400  }
0xaf: {  	[sflag:s14] =	ssyncset.done $0x0  }
0xb0: {  	s18 =	simm.s32 $0x28C0;
	[sflag:s14] =	ssyncadd.s32 $0xFFFFEC00  }
0xb1: {  	[tilespmem:s0], [sflag:$0x4] =	stream.indirect.gather [hbm4b:s2+s30], $0x80, s18, s30, $0xb8;
	[tilespmem:$0x1F300] =	vst v63  }
0xb2: {  	_ =	swait.ge [sflag:s15], $0x1400  }
0xb3: {  	[sflag:s15] =	ssyncset.done $0x0  }
0xb4: {  	s16 =	simm.s32 $0x320;
	s17 =	simm.s32 $0x28E8;
	[sflag:s15] =	ssyncadd.s32 $0xFFFFEC00  }
.LBB2_4:
0xb5: {  	[tilespmem:s6], [sflag:$0x5] =	stream.indirect.gather [hbm4b:s2+s30], $0x80, s17, s30, $0xb8;
	[tilespmem:$0x1F300] =	vst v63  }
0xb6: {  	s17 =	smov.u32 s16  }
0xb7: {  	p0 =	sne.s32 s16, $0x9600;
	s16 =	sadd.s32 $0x320, s16;
	_ =	swait.ge [sflag:s7], $0x1400  }
0xb8: {  	[sflag:s7] =	ssyncset.done $0x0  }
0xb9: {  	s17 =	sshra.s32 s17, $0x2;
	[sflag:s7] =	ssyncadd.s32 $0xFFFFEC00  }
0xba: {  	[spmem:s3] =	stream.indirect.scatter.add.f32 [tilespmem:s25], [sflag:$0x6], $0x80, s17, s30, $0xb8;
	[tilespmem:$0x1F300] =	vst v63  }
0xbb: {  	_ =	swait.ge [sflag:s8], $0x1400  }
0xbc: {  	[sflag:s8] =	ssyncset.done $0x0  }
0xbd: {  	s18 =	sadd.s32 $0x28, s17;
	[sflag:s8] =	ssyncadd.s32 $0xFFFFEC00  }
0xbe: {  	[spmem:s3] =	stream.indirect.scatter.add.f32 [tilespmem:s1], [sflag:$0x7], $0x80, s18, s30, $0xb8;
	[tilespmem:$0x1F300] =	vst v63  }
0xbf: {  	_ =	swait.ge [sflag:s9], $0x1400  }
0xc0: {  	[sflag:s9] =	ssyncset.done $0x0  }
0xc1: {  	s18 =	sadd.s32 $0x50, s17;
	[sflag:s9] =	ssyncadd.s32 $0xFFFFEC00  }
0xc2: {  	[spmem:s3] =	stream.indirect.scatter.add.f32 [tilespmem:s31], [sflag:$0x8], $0x80, s18, s30, $0xb8;
	[tilespmem:$0x1F300] =	vst v63  }
0xc3: {  	_ =	swait.ge [sflag:s10], $0x1400  }
0xc4: {  	[sflag:s10] =	ssyncset.done $0x0  }
0xc5: {  	s18 =	sadd.s32 $0x78, s17;
	[sflag:s10] =	ssyncadd.s32 $0xFFFFEC00  }
0xc6: {  	[spmem:s3] =	stream.indirect.scatter.add.f32 [tilespmem:s0], [sflag:$0x9], $0x80, s18, s30, $0xb8;
	[tilespmem:$0x1F300] =	vst v63  }
0xc7: {  	_ =	swait.ge [sflag:s11], $0x1400  }
0xc8: {  	[sflag:s11] =	ssyncset.done $0x0  }
0xc9: {  	s18 =	sadd.s32 $0xA0, s17;
	[sflag:s11] =	ssyncadd.s32 $0xFFFFEC00  }
0xca: {  	[spmem:s3] =	stream.indirect.scatter.add.f32 [tilespmem:s6], [sflag:$0xA], $0x80, s18, s30, $0xb8;
	[tilespmem:$0x1F300] =	vst v63  }
0xcb: {  	_ =	swait.ge [sflag:s29], $0x1400  }
0xcc: {  	[sflag:s29] =	ssyncset.done $0x0  }
0xcd: {  	s18 =	sadd.s32 $0x2848, s17;
	[sflag:s29] =	ssyncadd.s32 $0xFFFFEC00  }
0xce: {  	[tilespmem:s25], [sflag:$0x1] =	stream.indirect.gather [hbm4b:s2+s30], $0x80, s18, s30, $0xb8;
	[tilespmem:$0x1F300] =	vst v63  }
0xcf: {  	_ =	swait.ge [sflag:s12], $0x1400  }
0xd0: {  	[sflag:s12] =	ssyncset.done $0x0  }
0xd1: {  	s18 =	sadd.s32 $0x2870, s17;
	[sflag:s12] =	ssyncadd.s32 $0xFFFFEC00  }
0xd2: {  	[tilespmem:s1], [sflag:$0x2] =	stream.indirect.gather [hbm4b:s2+s30], $0x80, s18, s30, $0xb8;
	[tilespmem:$0x1F300] =	vst v63  }
0xd3: {  	_ =	swait.ge [sflag:s13], $0x1400  }
0xd4: {  	[sflag:s13] =	ssyncset.done $0x0  }
0xd5: {  	s18 =	sadd.s32 $0x2898, s17;
	[sflag:s13] =	ssyncadd.s32 $0xFFFFEC00  }
0xd6: {  	[tilespmem:s31], [sflag:$0x3] =	stream.indirect.gather [hbm4b:s2+s30], $0x80, s18, s30, $0xb8;
	[tilespmem:$0x1F300] =	vst v63  }
0xd7: {  	_ =	swait.ge [sflag:s14], $0x1400  }
0xd8: {  	[sflag:s14] =	ssyncset.done $0x0  }
.Ltmp1:
0xd9: {  	s18 =	sadd.s32 $0x28C0, s17;
	[sflag:s14] =	ssyncadd.s32 $0xFFFFEC00;
	(pc) =	sbr.rel @p0 .LBB2_4-.Ltmp1, $4  }
0xda: {  	[tilespmem:s0], [sflag:$0x4] =	stream.indirect.gather [hbm4b:s2+s30], $0x80, s18, s30, $0xb8;
	[tilespmem:$0x1F300] =	vst v63  }
0xdb: {  	_ =	swait.ge [sflag:s15], $0x1400  }
0xdc: {  	[sflag:s15] =	ssyncset.done $0x0  }
0xdd: {  	s17 =	sadd.s32 $0x28E8, s17;
	[sflag:s15] =	ssyncadd.s32 $0xFFFFEC00  }
0xde: {  	[tilespmem:s6], [sflag:$0x5] =	stream.indirect.gather [hbm4b:s2+s30], $0x80, s17, s30, $0xb8;
	[tilespmem:$0x1F300] =	vst v63  }
0xdf: {  	_ =	swait.ge [sflag:s7], $0x1400  }
0xe0: {  	[sflag:s7] =	ssyncset.done $0x0  }
0xe1: {  	s16 =	simm.s32 $0x2648;
	[sflag:s7] =	ssyncadd.s32 $0xFFFFEC00  }
0xe2: {  	[spmem:s3] =	stream.indirect.scatter.add.f32 [tilespmem:s25], [sflag:$0x6], $0x80, s16, s30, $0xb8;
	[tilespmem:$0x1F300] =	vst v63  }
0xe3: {  	_ =	swait.ge [sflag:s8], $0x1400  }
0xe4: {  	[sflag:s8] =	ssyncset.done $0x0  }
0xe5: {  	s17 =	simm.s32 $0x2670;
	[sflag:s8] =	ssyncadd.s32 $0xFFFFEC00  }
0xe6: {  	[spmem:s3] =	stream.indirect.scatter.add.f32 [tilespmem:s1], [sflag:$0x7], $0x80, s17, s30, $0xb8;
	[tilespmem:$0x1F300] =	vst v63  }
0xe7: {  	_ =	swait.ge [sflag:s9], $0x1400  }
0xe8: {  	[sflag:s9] =	ssyncset.done $0x0  }
0xe9: {  	s18 =	simm.s32 $0x2698;
	[sflag:s9] =	ssyncadd.s32 $0xFFFFEC00  }
0xea: {  	[spmem:s3] =	stream.indirect.scatter.add.f32 [tilespmem:s31], [sflag:$0x8], $0x80, s18, s30, $0xb8;
	[tilespmem:$0x1F300] =	vst v63  }
0xeb: {  	_ =	swait.ge [sflag:s10], $0x1400  }
0xec: {  	[sflag:s10] =	ssyncset.done $0x0  }
0xed: {  	s17 =	simm.s32 $0x26C0;
	[sflag:s10] =	ssyncadd.s32 $0xFFFFEC00  }
0xee: {  	[spmem:s3] =	stream.indirect.scatter.add.f32 [tilespmem:s0], [sflag:$0x9], $0x80, s17, s30, $0xb8;
	[tilespmem:$0x1F300] =	vst v63  }
0xef: {  	_ =	swait.ge [sflag:s11], $0x1400  }
0xf0: {  	[sflag:s11] =	ssyncset.done $0x0  }
0xf1: {  	s18 =	simm.s32 $0x26E8;
	[sflag:s11] =	ssyncadd.s32 $0xFFFFEC00  }
0xf2: {  	[spmem:s3] =	stream.indirect.scatter.add.f32 [tilespmem:s6], [sflag:$0xA], $0x80, s18, s30, $0xb8;
	[tilespmem:$0x1F300] =	vst v63  }
0xf3: {  	_ =	swait.ge [sflag:s29], $0x1400  }
0xf4: {  	[sflag:s29] =	ssyncset.done $0x0  }
0xf5: {  	[sflag:s29] =	ssyncadd.s32 $0xFFFFEC00  }
0xf6: {  	_ =	swait.ge [sflag:s12], $0x1400  }
0xf7: {  	[sflag:s12] =	ssyncset.done $0x0  }
0xf8: {  	[sflag:s12] =	ssyncadd.s32 $0xFFFFEC00  }
0xf9: {  	_ =	swait.ge [sflag:s13], $0x1400  }
0xfa: {  	[sflag:s13] =	ssyncset.done $0x0  }
0xfb: {  	[sflag:s13] =	ssyncadd.s32 $0xFFFFEC00  }
0xfc: {  	_ =	swait.ge [sflag:s14], $0x1400  }
0xfd: {  	[sflag:s14] =	ssyncset.done $0x0  }
0xfe: {  	[sflag:s14] =	ssyncadd.s32 $0xFFFFEC00  }
0xff: {  	s17 =	stileid.u32;
	_ =	swait.ge [sflag:s15], $0x1400  }
0x100: {  	s4 =	sadd.s32 $0x1, s4;
	s16 =	sshll.u32 s17, $0x6;
	[sflag:s15] =	ssyncset.done $0x0  }
0x101: {  	p0 =	sne.s32 s4, s24;
	s16 =	sor.u32 $0x1C0B, s16;
	[sflag:s15] =	ssyncadd.s32 $0xFFFFEC00  }
.Ltmp2:
0x102: {  	s18 =	sshrl.u32 s5, $0x3;
	[bflag:$0x0] =	sbarrier.arrive $0xFFFF;
	(pc) =	sbr.rel @p0 .LBB2_1-.Ltmp2, $4  }
0x103: {  	[hbm:s23], [sflag:s16] =	dma.local [spmem:s18], $0x2800  }
0x104: {  	_ =	swait.ge [sflag:s26], $0x2800  }
0x105: {  	[sflag:s26] =	ssyncset.done $0x0  }
0x106: {  	[sflag:s26] =	ssyncadd.s32 $0xFFFFD800  }
0x107: {  	_ =	sfence.sel $0x180000  }
0x108: {  	[bflag:$0x0] =	sbarrier.arrive $0xFFFF  }
0x109: {  	_ =	strace $0x9000004A  }
0x10a: {  	s0 =	stileid.u32;
	[bflag:$0x2] =	sbarrier.arrive $0xFFFF  }
0x10b: {  	p0 =	sne.s32 s0, $0x0;
	s0 =	rddreg [dreg:$0x3]  }
0x10c: {  	s0 =	sadd.s32 @!p0 $0x100000, s0  }
0x10d: {  	[sflag:s0] =	ssyncadd.tile.s32 @!p0 $0x1;
	_ =	shalt  }
.Lfunc_end2:
_tile_overlayer_lowered:
.L_overlay_start_2:
0x10e: {  	(tag) =	ssettag $0x2  }
0x10f: {  	s0 =	rddreg [dreg:$0x0];
	s2 =	stileid.u32  }
0x110: {  	s1 =	rddreg [dreg:$0x1];
	p0 =	sne.s32 s2, $0x0  }
0x111: {  	s3 =	rddreg [dreg:$0x2];
	[bflag:$0x3] =	sbarrier.arrive $0xFFFF;
	s2 =	simm.s32 @!p0 $0x1C0B  }
0x112: {  	[timem:s3], [sflag:s2] =	dma.local @!p0 [hbm:s0], s1  }
0x113: {  	s0 =	simm.s32 @!p0 $0xB  }
0x114: {  	_ =	swait.ge @!p0 [sflag:s0], s1  }
0x115: {  	s1 =	ssub.s32 @!p0 $0x0, s1;
	[sflag:s0] =	ssyncset.done @!p0 $0x0  }
0x116: {  	[sflag:s0] =	ssyncadd.s32 @!p0 s1  }
0x117: {  	[bflag:$0x3] =	sbarrier.arrive $0xFFFF  }
0x118: {  	_ =	shalt  }

</sc_bundles>
